<compile_context>
chip_gen: v7x
topology: tpu7x:2x2x1
jax: 0.10.2.dev20260603
libtpu: 0.0.44.dev20260713+nightly
codegen_flags: <defaults>
</compile_context>

<pallas_src>
import functools

import jax
import jax.numpy as jnp
from jax import lax
from jax.experimental import pallas as pl
from jax.experimental.pallas import tpu as pltpu
from jax.experimental.pallas import tpu_sc as plsc

_SCORE_THRESH = 0.7
_TOP_K_KP = 512
_TOP_K_M = 128


def _masked_scores_kernel(rep_ref, rel_ref, out_ref):
    x = rep_ref[0]
    rel = rel_ref[0]
    H, W = x.shape
    neginf = jnp.float32(-jnp.inf)
    row_pad = jnp.full((1, W), neginf, dtype=x.dtype)
    up = jnp.concatenate([x[1:], row_pad], axis=0)
    dn = jnp.concatenate([row_pad, x[:-1]], axis=0)
    vmax = jnp.maximum(jnp.maximum(x, up), dn)
    col_pad = jnp.full((H, 1), neginf, dtype=x.dtype)
    lf = jnp.concatenate([vmax[:, 1:], col_pad], axis=1)
    rt = jnp.concatenate([col_pad, vmax[:, :-1]], axis=1)
    mx = jnp.maximum(jnp.maximum(vmax, lf), rt)
    ms = jnp.sqrt(x * rel)
    keep = (x == mx) & (ms >= _SCORE_THRESH)
    out_ref[0] = jnp.where(keep, ms, neginf)


def _masked_scores(rep, rel):
    B = rep.shape[0]
    H, W = rep.shape[2], rep.shape[3]
    r = rep.reshape(B, H, W)
    l = rel.reshape(B, H, W)
    out = pl.pallas_call(
        _masked_scores_kernel,
        grid=(B,),
        in_specs=[
            pl.BlockSpec((1, H, W), lambda b: (b, 0, 0)),
            pl.BlockSpec((1, H, W), lambda b: (b, 0, 0)),
        ],
        out_specs=pl.BlockSpec((1, H, W), lambda b: (b, 0, 0)),
        out_shape=jax.ShapeDtypeStruct((B, H, W), jnp.float32),
    )(r, l)
    return out.reshape(B, H * W)


def _match_kernel(d1_ref, s1_ref, d2_ref, s2_ref, out_ref):
    a = d1_ref[0] * s1_ref[0]
    b = d2_ref[0] * s2_ref[0]
    out_ref[0] = jax.lax.dot_general(
        a, b, dimension_numbers=(((0,), (0,)), ((), ())),
        preferred_element_type=jnp.float32)


def _match_scores(d1, s1, d2, s2):
    B, C, K = d1.shape
    L = d2.shape[2]
    return pl.pallas_call(
        _match_kernel,
        grid=(B,),
        in_specs=[
            pl.BlockSpec((1, C, K), lambda b: (b, 0, 0)),
            pl.BlockSpec((1, 1, K), lambda b: (b, 0, 0)),
            pl.BlockSpec((1, C, L), lambda b: (b, 0, 0)),
            pl.BlockSpec((1, 1, L), lambda b: (b, 0, 0)),
        ],
        out_specs=pl.BlockSpec((1, K, L), lambda b: (b, 0, 0)),
        out_shape=jax.ShapeDtypeStruct((B, K, L), jnp.float32),
    )(d1, s1.reshape(B, 1, K), d2, s2.reshape(B, 1, L))


_CHUNK = 36864


def _topk512(scores_all):
    B, N = scores_all.shape
    nch = 6
    m = N // nch
    s = scores_all.reshape(B, nch, m)
    v, li = jax.lax.top_k(s, _TOP_K_KP)
    gi = li + jnp.arange(nch, dtype=li.dtype)[None, :, None] * m
    v2, p = jax.lax.top_k(v.reshape(B, nch * _TOP_K_KP), _TOP_K_KP)
    idx = jnp.take_along_axis(gi.reshape(B, nch * _TOP_K_KP), p, axis=1)
    return v2, idx


def _gather_cols(desc, idx):
    B, C, n = desc.shape
    K = idx.shape[1]
    if n <= _CHUNK:
        return jnp.take_along_axis(
            desc, jnp.broadcast_to(idx[:, None, :], (B, C, K)), axis=2)
    nch = n // _CHUNK
    d4 = desc.reshape(B, C, nch, _CHUNK)
    ch = idx // _CHUNK
    local = idx - ch * _CHUNK
    idx4 = jnp.broadcast_to(local[:, None, None, :], (B, C, nch, K))
    g4 = jnp.take_along_axis(d4, idx4, axis=3)
    mask = (ch[:, None, :] == jnp.arange(nch, dtype=jnp.int32)[None, :, None])
    m4 = mask.astype(jnp.float32)[:, None, :, :]
    return (g4 * m4).sum(axis=2)


def _extract_scores(rep0, rel0, rep1, rel1):
    H0, W0 = rep0.shape[2], rep0.shape[3]
    H1, W1 = rep1.shape[2], rep1.shape[3]
    n0 = H0 * W0
    n1 = H1 * W1

    s0 = _masked_scores(rep0, rel0)
    s1 = _masked_scores(rep1, rel1)
    scores_all = jnp.concatenate([s0, s1], axis=1)
    top_scores, idx = _topk512(scores_all)

    in0 = idx < n0
    j1 = idx - n0
    r = jnp.where(in0, idx // W0, 2 * (j1 // W1))
    c = jnp.where(in0, idx % W0, 2 * (j1 % W1))
    loc = jnp.stack([r, c], axis=1).astype(jnp.float32)

    i0 = jnp.clip(idx, 0, n0 - 1)
    i1 = jnp.clip(j1, 0, n1 - 1)
    return top_scores, loc, in0, i0, i1


def kernel(img1_rep_s0, img1_rel_s0, img1_desc_s0, img1_rep_s1, img1_rel_s1,
           img1_desc_s1, img2_rep_s0, img2_rel_s0, img2_desc_s0, img2_rep_s1,
           img2_rel_s1, img2_desc_s1):
    B = img1_rep_s0.shape[0]
    C = img1_desc_s0.shape[1]
    n0 = img1_rep_s0.shape[2] * img1_rep_s0.shape[3]
    n1 = img1_rep_s1.shape[2] * img1_rep_s1.shape[3]

    sc1, loc1, in0_1, i0_1, i1_1 = _extract_scores(
        img1_rep_s0, img1_rel_s0, img1_rep_s1, img1_rel_s1)
    sc2, loc2, in0_2, i0_2, i1_2 = _extract_scores(
        img2_rep_s0, img2_rel_s0, img2_rep_s1, img2_rel_s1)

    d1 = jnp.where(in0_1[:, None, :],
                   _gather_cols(img1_desc_s0.reshape(B, C, n0), i0_1),
                   _gather_cols(img1_desc_s1.reshape(B, C, n1), i1_1))
    d2 = jnp.where(in0_2[:, None, :],
                   _gather_cols(img2_desc_s0.reshape(B, C, n0), i0_2),
                   _gather_cols(img2_desc_s1.reshape(B, C, n1), i1_2))
    scores = _match_scores(d1, sc1, d2, sc2)
    B, K, L = scores.shape
    nch = 8
    v, li = jax.lax.top_k(scores.reshape(B, nch, (K // nch) * L), _TOP_K_M)
    gi = li + jnp.arange(nch, dtype=li.dtype)[None, :, None] * ((K // nch) * L)
    _, p = jax.lax.top_k(v.reshape(B, nch * _TOP_K_M), _TOP_K_M)
    top_idx = jnp.take_along_axis(gi.reshape(B, nch * _TOP_K_M), p, axis=1)
    i1 = top_idx // L
    i2 = top_idx % L
    m1 = jnp.take_along_axis(
        loc1, jnp.broadcast_to(i1[:, None, :], (B, 2, _TOP_K_M)), axis=2)
    m2 = jnp.take_along_axis(
        loc2, jnp.broadcast_to(i2[:, None, :], (B, 2, _TOP_K_M)), axis=2)
    return jnp.concatenate([m1, m2], axis=1)

# --- scband reference (transcript-rebuilt; emitter-appended) ---
"""Pipeline reference for scband-non-diff-correspondence-engine-29703993819772 (READ-ONLY COPY).

The authoritative reference and input builder live on the scoring server;
editing this copy changes nothing except your own understanding.
"""

import jax, jax.numpy as jnp
import numpy as np

SCORE_THRESH = 0.7
TOP_K_KP = 512
TOP_K_M = 128
B, C, H0, H1 = 2, 128, 384, 192


def _max_filter(x):
    # torch.nn.MaxPool2d(kernel_size=3, stride=1, padding=1) pads with -inf
    return jax.lax.reduce_window(x, -jnp.inf, jax.lax.max, (1, 1, 3, 3), (1, 1, 1, 1), 'SAME')


def _extract(rep0, rel0, desc0, rep1, rel1, desc1):
    # Equivalent to the torch nonzero/cat/topk pipeline: mask non-maxima and
    # below-threshold pixels to -inf, then take a global top-512 over all
    # candidate pixels across both pyramid levels.
    b = rep0.shape[0]
    c = desc0.shape[1]
    scores_list, desc_list, loc_list = [], [], []
    for rep, rel, desc, scale in ((rep0, rel0, desc0, 1.0), (rep1, rel1, desc1, 2.0)):
        H, W = rep.shape[2], rep.shape[3]
        mask = rep == _max_filter(rep)
        mean_scores = jnp.sqrt(rep * rel)
        mask = mask & (mean_scores >= SCORE_THRESH)
        masked = jnp.where(mask, mean_scores, -jnp.inf)
        scores_list.append(masked.reshape(b, H * W))
        desc_list.append(desc.reshape(b, c, H * W))
        rr, cc = jnp.meshgrid(jnp.arange(H, dtype=jnp.float32), jnp.arange(W, dtype=jnp.float32), indexing='ij')
        loc = jnp.stack([rr.reshape(-1), cc.reshape(-1)], axis=0) * scale
        loc_list.append(jnp.broadcast_to(loc[None], (b, 2, H * W)))
    scores_all = jnp.concatenate(scores_list, axis=1)
    desc_all = jnp.concatenate(desc_list, axis=2)
    loc_all = jnp.concatenate(loc_list, axis=2)
    top_scores, idx = jax.lax.top_k(scores_all, TOP_K_KP)
    loc_sel = jnp.take_along_axis(loc_all, jnp.broadcast_to(idx[:, None, :], (b, 2, TOP_K_KP)), axis=2)
    desc_sel = jnp.take_along_axis(desc_all, jnp.broadcast_to(idx[:, None, :], (b, c, TOP_K_KP)), axis=2)
    return loc_sel, top_scores, desc_sel


def reference(img1_rep_s0, img1_rel_s0, img1_desc_s0, img1_rep_s1, img1_rel_s1, img1_desc_s1,
              img2_rep_s0, img2_rel_s0, img2_desc_s0, img2_rep_s1, img2_rel_s1, img2_desc_s1):
    loc1, sc1, d1 = _extract(img1_rep_s0, img1_rel_s0, img1_desc_s0, img1_rep_s1, img1_rel_s1, img1_desc_s1)
    loc2, sc2, d2 = _extract(img2_rep_s0, img2_rel_s0, img2_desc_s0, img2_rep_s1, img2_rel_s1, img2_desc_s1)
    d1 = d1 * sc1[:, None, :]
    d2 = d2 * sc2[:, None, :]
    scores = jnp.einsum('bck,bcl->bkl', d1, d2)
    b, K, L = scores.shape
    _, top_idx = jax.lax.top_k(scores.reshape(b, K * L), TOP_K_M)
    i1 = top_idx // L
    i2 = top_idx % L
    m1 = jnp.take_along_axis(loc1, jnp.broadcast_to(i1[:, None, :], (b, 2, TOP_K_M)), axis=2)
    m2 = jnp.take_along_axis(loc2, jnp.broadcast_to(i2[:, None, :], (b, 2, TOP_K_M)), axis=2)
    return jnp.concatenate([m1, m2], axis=1)


def setup_inputs(seed: int = 0) -> dict:
    key = jax.random.key(seed)
    d = {}
    i = 0
    for img in (1, 2):
        for s, H in ((0, H0), (1, H1)):
            d['img%d_rep_s%d' % (img, s)] = jax.random.uniform(jax.random.fold_in(key, i), (B, 1, H, H), dtype=jnp.float32); i += 1
            d['img%d_rel_s%d' % (img, s)] = jax.random.uniform(jax.random.fold_in(key, i), (B, 1, H, H), dtype=jnp.float32); i += 1
            d['img%d_desc_s%d' % (img, s)] = jax.random.normal(jax.random.fold_in(key, i), (B, C, H, H), dtype=jnp.float32); i += 1
    return d


if False:  # reference __main__ guard neutralized (emitter)
    out = reference(**setup_inputs())
    print(out.shape)

if __name__ == "__main__":
    import jax
    _d = setup_inputs()
    print(jax.jit(kernel)(*tuple(_d.values())))

</pallas_src>

<mosaic_0001>
module attributes {stable_mosaic.version = 14 : i64} {
  func.func @_masked_scores_kernel(%arg0: i32, %arg1: memref<1x192x192xf32, #tpu.memory_space<vmem>>, %arg2: memref<1x192x192xf32, #tpu.memory_space<vmem>>, %arg3: memref<1x192x192xf32, #tpu.memory_space<vmem>>) attributes {dimension_semantics = [#tpu.dimension_semantics<arbitrary>], iteration_bounds = array<i64: 2>, scalar_prefetch = 0 : i64, scratch_operands = 0 : i64, tpu.core_type = #tpu.core_type<tc>, window_params = [{transform_indices = @transform_0, window_bounds = array<i64: 1, 192, 192>}, {transform_indices = @transform_1, window_bounds = array<i64: 1, 192, 192>}, {transform_indices = @transform_2, window_bounds = array<i64: 1, 192, 192>}]} {
    %get3A = arith.constant 0 : index
    %get3A_0 = arith.constant 0 : index
    %get3A_1 = arith.constant 0 : index
    %get3A_2 = vector.load %arg1[%get3A, %get3A_0, %get3A_1] : memref<1x192x192xf32, #tpu.memory_space<vmem>>, vector<1x192x192xf32>
    %get3A_3 = vector.shape_cast %get3A_2 : vector<1x192x192xf32> to vector<192x192xf32>
    %get3A_4 = arith.constant 0 : index
    %get3A_5 = arith.constant 0 : index
    %get3A_6 = arith.constant 0 : index
    %get3A_7 = vector.load %arg2[%get3A_4, %get3A_5, %get3A_6] : memref<1x192x192xf32, #tpu.memory_space<vmem>>, vector<1x192x192xf32>
    %get3A_8 = vector.shape_cast %get3A_7 : vector<1x192x192xf32> to vector<192x192xf32>
    %broadcast_in_dim3A = arith.constant 0xFF800000 : f32
    %broadcast_in_dim3A_9 = vector.broadcast %broadcast_in_dim3A : f32 to vector<1x192xf32>
    %slice3A = vector.extract_strided_slice %get3A_3 {offsets = [1, 0], sizes = [191, 192], strides = [1, 1]} : vector<192x192xf32> to vector<191x192xf32>
    %concatenate3A = tpu.concatenate %slice3A, %broadcast_in_dim3A_9 in 0 : vector<191x192xf32>, vector<1x192xf32> -> vector<192x192xf32>
    %slice3A_10 = vector.extract_strided_slice %get3A_3 {offsets = [0, 0], sizes = [191, 192], strides = [1, 1]} : vector<192x192xf32> to vector<191x192xf32>
    %concatenate3A_11 = tpu.concatenate %broadcast_in_dim3A_9, %slice3A_10 in 0 : vector<1x192xf32>, vector<191x192xf32> -> vector<192x192xf32>
    %max3A = arith.maximumf %get3A_3, %concatenate3A : vector<192x192xf32>
    %max3A_12 = arith.maximumf %max3A, %concatenate3A_11 : vector<192x192xf32>
    %broadcast_in_dim3A_13 = arith.constant 0xFF800000 : f32
    %broadcast_in_dim3A_14 = vector.broadcast %broadcast_in_dim3A_13 : f32 to vector<192x1xf32>
    %slice3A_15 = vector.extract_strided_slice %max3A_12 {offsets = [0, 1], sizes = [192, 191], strides = [1, 1]} : vector<192x192xf32> to vector<192x191xf32>
    %concatenate3A_16 = tpu.concatenate %slice3A_15, %broadcast_in_dim3A_14 in 1 : vector<192x191xf32>, vector<192x1xf32> -> vector<192x192xf32>
    %slice3A_17 = vector.extract_strided_slice %max3A_12 {offsets = [0, 0], sizes = [192, 191], strides = [1, 1]} : vector<192x192xf32> to vector<192x191xf32>
    %concatenate3A_18 = tpu.concatenate %broadcast_in_dim3A_14, %slice3A_17 in 1 : vector<192x1xf32>, vector<192x191xf32> -> vector<192x192xf32>
    %max3A_19 = arith.maximumf %max3A_12, %concatenate3A_16 : vector<192x192xf32>
    %max3A_20 = arith.maximumf %max3A_19, %concatenate3A_18 : vector<192x192xf32>
    %mul3A = arith.mulf %get3A_3, %get3A_8 : vector<192x192xf32>
    %sqrt3A = math.sqrt %mul3A : vector<192x192xf32>
    %eq3A = arith.cmpf oeq, %get3A_3, %max3A_20 : vector<192x192xf32>
    %ge3A = arith.constant 0.699999988 : f32
    %ge3A_21 = vector.broadcast %ge3A : f32 to vector<192x192xf32>
    %ge3A_22 = arith.cmpf oge, %sqrt3A, %ge3A_21 : vector<192x192xf32>
    %and3A = arith.andi %eq3A, %ge3A_22 : vector<192x192xi1>
    %jit3A = arith.constant 0xFF800000 : f32
    %broadcast_in_dim3A_23 = vector.broadcast %jit3A : f32 to vector<192x192xf32>
    %select_n3A = arith.select %and3A, %sqrt3A, %broadcast_in_dim3A_23 : vector<192x192xi1>, vector<192x192xf32>
    %swap3A = arith.constant 0 : index
    %swap3A_24 = arith.constant 0 : index
    %swap3A_25 = arith.constant 0 : index
    %swap3A_26 = vector.load %arg3[%swap3A, %swap3A_24, %swap3A_25] : memref<1x192x192xf32, #tpu.memory_space<vmem>>, vector<1x192x192xf32>
    %swap3A_27 = vector.shape_cast %swap3A_26 : vector<1x192x192xf32> to vector<192x192xf32>
    %swap3A_28 = vector.shape_cast %select_n3A : vector<192x192xf32> to vector<1x192x192xf32>
    tpu.vector_store %arg3[%swap3A, %swap3A_24, %swap3A_25], %swap3A_28 {strides = array<i32>} : memref<1x192x192xf32, #tpu.memory_space<vmem>>, vector<1x192x192xf32>,
    return
  }
  func.func @transform_0(%arg0: i32) -> (i32, i32, i32) {
    %c0_i32 = arith.constant 0 : i32
    %c0_i32_0 = arith.constant 0 : i32
    %c0_i32_1 = arith.constant 0 : i32
    return %arg0, %c0_i32, %c0_i32_0 : i32, i32, i32
  }
  func.func @transform_1(%arg0: i32) -> (i32, i32, i32) {
    %c0_i32 = arith.constant 0 : i32
    %c0_i32_0 = arith.constant 0 : i32
    %c0_i32_1 = arith.constant 0 : i32
    return %arg0, %c0_i32, %c0_i32_0 : i32, i32, i32
  }
  func.func @transform_2(%arg0: i32) -> (i32, i32, i32) {
    %c0_i32 = arith.constant 0 : i32
    %c0_i32_0 = arith.constant 0 : i32
    %c0_i32_1 = arith.constant 0 : i32
    return %arg0, %c0_i32, %c0_i32_0 : i32, i32, i32
  }
}

module attributes {stable_mosaic.version = 14 : i64} {
  func.func @_masked_scores_kernel(%arg0: i32, %arg1: memref<1x384x384xf32, #tpu.memory_space<vmem>>, %arg2: memref<1x384x384xf32, #tpu.memory_space<vmem>>, %arg3: memref<1x384x384xf32, #tpu.memory_space<vmem>>) attributes {dimension_semantics = [#tpu.dimension_semantics<arbitrary>], iteration_bounds = array<i64: 2>, scalar_prefetch = 0 : i64, scratch_operands = 0 : i64, tpu.core_type = #tpu.core_type<tc>, window_params = [{transform_indices = @transform_0, window_bounds = array<i64: 1, 384, 384>}, {transform_indices = @transform_1, window_bounds = array<i64: 1, 384, 384>}, {transform_indices = @transform_2, window_bounds = array<i64: 1, 384, 384>}]} {
    %get3A = arith.constant 0 : index
    %get3A_0 = arith.constant 0 : index
    %get3A_1 = arith.constant 0 : index
    %get3A_2 = vector.load %arg1[%get3A, %get3A_0, %get3A_1] : memref<1x384x384xf32, #tpu.memory_space<vmem>>, vector<1x384x384xf32>
    %get3A_3 = vector.shape_cast %get3A_2 : vector<1x384x384xf32> to vector<384x384xf32>
    %get3A_4 = arith.constant 0 : index
    %get3A_5 = arith.constant 0 : index
    %get3A_6 = arith.constant 0 : index
    %get3A_7 = vector.load %arg2[%get3A_4, %get3A_5, %get3A_6] : memref<1x384x384xf32, #tpu.memory_space<vmem>>, vector<1x384x384xf32>
    %get3A_8 = vector.shape_cast %get3A_7 : vector<1x384x384xf32> to vector<384x384xf32>
    %broadcast_in_dim3A = arith.constant 0xFF800000 : f32
    %broadcast_in_dim3A_9 = vector.broadcast %broadcast_in_dim3A : f32 to vector<1x384xf32>
    %slice3A = vector.extract_strided_slice %get3A_3 {offsets = [1, 0], sizes = [383, 384], strides = [1, 1]} : vector<384x384xf32> to vector<383x384xf32>
    %concatenate3A = tpu.concatenate %slice3A, %broadcast_in_dim3A_9 in 0 : vector<383x384xf32>, vector<1x384xf32> -> vector<384x384xf32>
    %slice3A_10 = vector.extract_strided_slice %get3A_3 {offsets = [0, 0], sizes = [383, 384], strides = [1, 1]} : vector<384x384xf32> to vector<383x384xf32>
    %concatenate3A_11 = tpu.concatenate %broadcast_in_dim3A_9, %slice3A_10 in 0 : vector<1x384xf32>, vector<383x384xf32> -> vector<384x384xf32>
    %max3A = arith.maximumf %get3A_3, %concatenate3A : vector<384x384xf32>
    %max3A_12 = arith.maximumf %max3A, %concatenate3A_11 : vector<384x384xf32>
    %broadcast_in_dim3A_13 = arith.constant 0xFF800000 : f32
    %broadcast_in_dim3A_14 = vector.broadcast %broadcast_in_dim3A_13 : f32 to vector<384x1xf32>
    %slice3A_15 = vector.extract_strided_slice %max3A_12 {offsets = [0, 1], sizes = [384, 383], strides = [1, 1]} : vector<384x384xf32> to vector<384x383xf32>
    %concatenate3A_16 = tpu.concatenate %slice3A_15, %broadcast_in_dim3A_14 in 1 : vector<384x383xf32>, vector<384x1xf32> -> vector<384x384xf32>
    %slice3A_17 = vector.extract_strided_slice %max3A_12 {offsets = [0, 0], sizes = [384, 383], strides = [1, 1]} : vector<384x384xf32> to vector<384x383xf32>
    %concatenate3A_18 = tpu.concatenate %broadcast_in_dim3A_14, %slice3A_17 in 1 : vector<384x1xf32>, vector<384x383xf32> -> vector<384x384xf32>
    %max3A_19 = arith.maximumf %max3A_12, %concatenate3A_16 : vector<384x384xf32>
    %max3A_20 = arith.maximumf %max3A_19, %concatenate3A_18 : vector<384x384xf32>
    %mul3A = arith.mulf %get3A_3, %get3A_8 : vector<384x384xf32>
    %sqrt3A = math.sqrt %mul3A : vector<384x384xf32>
    %eq3A = arith.cmpf oeq, %get3A_3, %max3A_20 : vector<384x384xf32>
    %ge3A = arith.constant 0.699999988 : f32
    %ge3A_21 = vector.broadcast %ge3A : f32 to vector<384x384xf32>
    %ge3A_22 = arith.cmpf oge, %sqrt3A, %ge3A_21 : vector<384x384xf32>
    %and3A = arith.andi %eq3A, %ge3A_22 : vector<384x384xi1>
    %jit3A = arith.constant 0xFF800000 : f32
    %broadcast_in_dim3A_23 = vector.broadcast %jit3A : f32 to vector<384x384xf32>
    %select_n3A = arith.select %and3A, %sqrt3A, %broadcast_in_dim3A_23 : vector<384x384xi1>, vector<384x384xf32>
    %swap3A = arith.constant 0 : index
    %swap3A_24 = arith.constant 0 : index
    %swap3A_25 = arith.constant 0 : index
    %swap3A_26 = vector.load %arg3[%swap3A, %swap3A_24, %swap3A_25] : memref<1x384x384xf32, #tpu.memory_space<vmem>>, vector<1x384x384xf32>
    %swap3A_27 = vector.shape_cast %swap3A_26 : vector<1x384x384xf32> to vector<384x384xf32>
    %swap3A_28 = vector.shape_cast %select_n3A : vector<384x384xf32> to vector<1x384x384xf32>
    tpu.vector_store %arg3[%swap3A, %swap3A_24, %swap3A_25], %swap3A_28 {strides = array<i32>} : memref<1x384x384xf32, #tpu.memory_space<vmem>>, vector<1x384x384xf32>,
    return
  }
  func.func @transform_0(%arg0: i32) -> (i32, i32, i32) {
    %c0_i32 = arith.constant 0 : i32
    %c0_i32_0 = arith.constant 0 : i32
    %c0_i32_1 = arith.constant 0 : i32
    return %arg0, %c0_i32, %c0_i32_0 : i32, i32, i32
  }
  func.func @transform_1(%arg0: i32) -> (i32, i32, i32) {
    %c0_i32 = arith.constant 0 : i32
    %c0_i32_0 = arith.constant 0 : i32
    %c0_i32_1 = arith.constant 0 : i32
    return %arg0, %c0_i32, %c0_i32_0 : i32, i32, i32
  }
  func.func @transform_2(%arg0: i32) -> (i32, i32, i32) {
    %c0_i32 = arith.constant 0 : i32
    %c0_i32_0 = arith.constant 0 : i32
    %c0_i32_1 = arith.constant 0 : i32
    return %arg0, %c0_i32, %c0_i32_0 : i32, i32, i32
  }
}

module attributes {stable_mosaic.version = 14 : i64} {
  func.func @_match_kernel(%arg0: i32, %arg1: memref<1x128x512xf32, #tpu.memory_space<vmem>>, %arg2: memref<1x1x512xf32, #tpu.memory_space<vmem>>, %arg3: memref<1x128x512xf32, #tpu.memory_space<vmem>>, %arg4: memref<1x1x512xf32, #tpu.memory_space<vmem>>, %arg5: memref<1x512x512xf32, #tpu.memory_space<vmem>>) attributes {dimension_semantics = [#tpu.dimension_semantics<arbitrary>], iteration_bounds = array<i64: 2>, scalar_prefetch = 0 : i64, scratch_operands = 0 : i64, tpu.core_type = #tpu.core_type<tc>, window_params = [{transform_indices = @transform_0, window_bounds = array<i64: 1, 128, 512>}, {transform_indices = @transform_1, window_bounds = array<i64: 1, 1, 512>}, {transform_indices = @transform_2, window_bounds = array<i64: 1, 128, 512>}, {transform_indices = @transform_3, window_bounds = array<i64: 1, 1, 512>}, {transform_indices = @transform_4, window_bounds = array<i64: 1, 512, 512>}]} {
    %get3A = arith.constant 0 : index
    %get3A_0 = arith.constant 0 : index
    %get3A_1 = arith.constant 0 : index
    %get3A_2 = vector.load %arg1[%get3A, %get3A_0, %get3A_1] : memref<1x128x512xf32, #tpu.memory_space<vmem>>, vector<1x128x512xf32>
    %get3A_3 = vector.shape_cast %get3A_2 : vector<1x128x512xf32> to vector<128x512xf32>
    %get3A_4 = arith.constant 0 : index
    %get3A_5 = arith.constant 0 : index
    %get3A_6 = arith.constant 0 : index
    %get3A_7 = vector.load %arg2[%get3A_4, %get3A_5, %get3A_6] : memref<1x1x512xf32, #tpu.memory_space<vmem>>, vector<1x1x512xf32>
    %get3A_8 = vector.shape_cast %get3A_7 : vector<1x1x512xf32> to vector<1x512xf32>
    %mul3A = vector.broadcast %get3A_8 : vector<1x512xf32> to vector<128x512xf32>
    %mul3A_9 = arith.mulf %get3A_3, %mul3A : vector<128x512xf32>
    %get3A_10 = arith.constant 0 : index
    %get3A_11 = arith.constant 0 : index
    %get3A_12 = arith.constant 0 : index
    %get3A_13 = vector.load %arg3[%get3A_10, %get3A_11, %get3A_12] : memref<1x128x512xf32, #tpu.memory_space<vmem>>, vector<1x128x512xf32>
    %get3A_14 = vector.shape_cast %get3A_13 : vector<1x128x512xf32> to vector<128x512xf32>
    %get3A_15 = arith.constant 0 : index
    %get3A_16 = arith.constant 0 : index
    %get3A_17 = arith.constant 0 : index
    %get3A_18 = vector.load %arg4[%get3A_15, %get3A_16, %get3A_17] : memref<1x1x512xf32, #tpu.memory_space<vmem>>, vector<1x1x512xf32>
    %get3A_19 = vector.shape_cast %get3A_18 : vector<1x1x512xf32> to vector<1x512xf32>
    %mul3A_20 = vector.broadcast %get3A_19 : vector<1x512xf32> to vector<128x512xf32>
    %mul3A_21 = arith.mulf %get3A_14, %mul3A_20 : vector<128x512xf32>
    %dot_general3A = arith.constant dense<0.000000e+00> : vector<512x512xf32>
    %dot_general3A_22 = tpu.matmul %mul3A_9, %mul3A_21, %dot_general3A {dimension_numbers = #tpu.dot_dimension_numbers<[0], [0], [1], [1], [0, 1, 1, 1], [], []>, transpose_lhs_hint = false} : vector<128x512xf32>, vector<128x512xf32>, vector<512x512xf32> -> vector<512x512xf32>
    %swap3A = arith.constant 0 : index
    %swap3A_23 = arith.constant 0 : index
    %swap3A_24 = arith.constant 0 : index
    %swap3A_25 = vector.load %arg5[%swap3A, %swap3A_23, %swap3A_24] : memref<1x512x512xf32, #tpu.memory_space<vmem>>, vector<1x512x512xf32>
    %swap3A_26 = vector.shape_cast %swap3A_25 : vector<1x512x512xf32> to vector<512x512xf32>
    %swap3A_27 = vector.shape_cast %dot_general3A_22 : vector<512x512xf32> to vector<1x512x512xf32>
    tpu.vector_store %arg5[%swap3A, %swap3A_23, %swap3A_24], %swap3A_27 {strides = array<i32>} : memref<1x512x512xf32, #tpu.memory_space<vmem>>, vector<1x512x512xf32>,
    return
  }
  func.func @transform_0(%arg0: i32) -> (i32, i32, i32) {
    %c0_i32 = arith.constant 0 : i32
    %c0_i32_0 = arith.constant 0 : i32
    %c0_i32_1 = arith.constant 0 : i32
    return %arg0, %c0_i32, %c0_i32_0 : i32, i32, i32
  }
  func.func @transform_1(%arg0: i32) -> (i32, i32, i32) {
    %c0_i32 = arith.constant 0 : i32
    %c0_i32_0 = arith.constant 0 : i32
    %c0_i32_1 = arith.constant 0 : i32
    return %arg0, %c0_i32, %c0_i32_0 : i32, i32, i32
  }
  func.func @transform_2(%arg0: i32) -> (i32, i32, i32) {
    %c0_i32 = arith.constant 0 : i32
    %c0_i32_0 = arith.constant 0 : i32
    %c0_i32_1 = arith.constant 0 : i32
    return %arg0, %c0_i32, %c0_i32_0 : i32, i32, i32
  }
  func.func @transform_3(%arg0: i32) -> (i32, i32, i32) {
    %c0_i32 = arith.constant 0 : i32
    %c0_i32_0 = arith.constant 0 : i32
    %c0_i32_1 = arith.constant 0 : i32
    return %arg0, %c0_i32, %c0_i32_0 : i32, i32, i32
  }
  func.func @transform_4(%arg0: i32) -> (i32, i32, i32) {
    %c0_i32 = arith.constant 0 : i32
    %c0_i32_0 = arith.constant 0 : i32
    %c0_i32_1 = arith.constant 0 : i32
    return %arg0, %c0_i32, %c0_i32_0 : i32, i32, i32
  }
}

</mosaic_0001>

<sc_bundles>
// kernel: gather_offload_async_start.1
scs
__scs_entry_jumppad:
0x0: {  	(pc) =	sbr.rel $0x88, $3  }
0x1: {  	(tag) =	ssettag $0x0;
	lr =	simm.s32 $0x1  }
0x2: {  	[smem:$0x3F95] =	sst lr;
	_ =	strace $0xD0000000  }
0x3: {  	_ = 	snop  }
0x4: {  	_ = 	snop  }
0x5: {  	_ = 	snop  }
0x6: {  	_ = 	snop  }
0x7: {  	_ = 	snop  }
__scs_overlays_trampoline_lowered:
0x8: {  	[smem:$0x3FA4] =	sst s0  }
0x9: {  	[smem:$0x3FA5] =	sst s1  }
0xa: {  	[smem:$0x3FA6] =	sst s2  }
0xb: {  	[smem:$0x3FA7] =	sst s3  }
0xc: {  	[smem:$0x3FA8] =	sst s4  }
0xd: {  	[smem:$0x3FA9] =	sst s5  }
0xe: {  	[smem:$0x3FAA] =	sst s6  }
0xf: {  	[smem:$0x3FAB] =	sst s7  }
0x10: {  	[smem:$0x3FAC] =	sst s8  }
0x11: {  	[smem:$0x3FAD] =	sst s9;
	s0 =	simm.s32 @!p0 $0x0  }
0x12: {  	s1 =	sld [smem:$0x3F93];
	s0 =	simm.s32 @p0 $0x1  }
0x13: {  	[smem:$0x3FAE] =	sst s0;
	s0 =	simm.s32 @!p1 $0x0  }
0x14: {  	s2 =	sld [smem:$0x3F92];
	s0 =	simm.s32 @p1 $0x1  }
0x15: {  	[smem:$0x3FAF] =	sst s0;
	s0 =	simm.s32 @!p2 $0x0  }
0x16: {  	s3 =	sld [smem:$0x3FDB];
	s0 =	simm.s32 @p2 $0x1  }
0x17: {  	s4 =	simm.s32 $0x1BF5;
	[smem:$0x3FB1] =	sst s0  }
0x18: {  	s0 =	sld [smem:$0x3F94];
	_ =	swait.ge [sflag:s4], $0x0  }
0x19: {  	s7 =	sld [smem:$0x3F95]  }
0x1a: {  	s8 =	sadd.s32 $0xFFFFE003, lr  }
0x1b: {  	s9 =	sadd.s32 $0xFFFFFEF7, lr;
	s5 =	simm.s32 $0xFFFFFFFF;
	p2 =	slt.u32 s8, $0xFFFFF086  }
0x1c: {  	p1 =	slt.u32 s9, $0xF7A;
	s5 =	simm.s32 @!p2 $0x0  }
0x1d: {  	s5 =	simm.s32 @p1 $0x1;
	p0 =	seq.s32 s7, s2  }
0x1e: {  	s7 =	smul.u32 @!p0 $0xF7A, s2;
	p2 =	seq.s32 @!p0 s5, $0x0  }
0x1f: {  	s9 =	smul.u32 $0xF7A, s1;
	s8 =	simm.s32 @!p0 $0x1BF5;
	p2 =	por !p2, p0  }
0x20: {  	[sflag:s8] =	ssyncset.s32 @!p0 $0xFFFFF086;
	s6 =	sadd.s32 @!p0 s3, s7;
	s7 =	simm.s32 @!p0 $0x108  }
0x21: {  	s3 =	sadd.s32 s3, s9;
	s6 =	sadd.s32 @!p0 $0x88, s6;
	s7 =	simm.s32 @p2 $0x1082  }
0x22: {  	[simem:s7], [sflag:s8] =	dma.local @!p0 [hbm:s6], $0xF7A  }
0x23: {  	s9 =	sor.u32 $0xD0000000, s2;
	s6 =	simm.s32 $0x108;
	_ =	swait.ge @!p0 [sflag:s8], $0x0  }
0x24: {  	s3 =	sadd.s32 $0x88, s3;
	s6 =	simm.s32 @!p1 $0x1082;
	[sflag:s4] =	ssyncset.s32 $0xFFFFF086  }
0x25: {  	[simem:s6], [sflag:s4] =	dma.local [hbm:s3], $0xF7A  }
0x26: {  	[smem:$0x3F95] =	sst s1;
	(tag) =	ssettag s2;
	_ =	strace s9  }
0x27: {  	s1 =	sld [smem:$0x3FA5]  }
0x28: {  	s2 =	sld [smem:$0x3FA6]  }
0x29: {  	s4 =	sld [smem:$0x3FA8]  }
0x2a: {  	p0 =	seq.s32 s5, $0x0;
	s5 =	sld [smem:$0x3FA9]  }
0x2b: {  	s6 =	sld [smem:$0x3FAA]  }
0x2c: {  	s7 =	sld [smem:$0x3FAB]  }
0x2d: {  	s3 =	simm.s32 $0x108;
	s8 =	sld [smem:$0x3FAC]  }
0x2e: {  	s3 =	simm.s32 @!p0 $0x1082;
	s9 =	sld [smem:$0x3FAD]  }
0x2f: {  	lr =	sadd.s32 s0, s3;
	s0 =	sld [smem:$0x3FA4]  }
0x30: {  	s3 =	sld [smem:$0x3FA7]  }
0x31: {  	[smem:$0x3FB0] =	sst s10  }
0x32: {  	s10 =	sld [smem:$0x3FAE];
	_ =	sdelay $0x3  }
0x33: {  	p0 =	seq.s32 s10, $0x1;
	s10 =	sld [smem:$0x3FB0];
	_ =	sdelay $0x3  }
0x34: {  	[smem:$0x3FB0] =	sst s10  }
0x35: {  	s10 =	sld [smem:$0x3FAF];
	_ =	sdelay $0x3  }
0x36: {  	p1 =	seq.s32 s10, $0x1;
	s10 =	sld [smem:$0x3FB0];
	_ =	sdelay $0x3  }
0x37: {  	[smem:$0x3FB0] =	sst s10  }
0x38: {  	s10 =	sld [smem:$0x3FB1]  }
0x39: {  	_ = 	snop;
	(pc) =	sbr.ind lr, $3  }
0x3a: {  	_ = 	snop  }
0x3b: {  	_ = 	snop  }
0x3c: {  	p2 =	seq.s32 s10, $0x1;
	s10 =	sld [smem:$0x3FB0]  }
0x3d: {  	_ =	shalt  }
0x3e: {  	_ =	shalt  }
0x3f: {  	_ =	shalt  }
0x40: {  	_ =	shalt  }
0x41: {  	_ =	shalt  }
0x42: {  	_ =	shalt  }
0x43: {  	_ =	shalt  }
0x44: {  	_ =	shalt  }
0x45: {  	_ =	shalt  }
0x46: {  	_ =	shalt  }
0x47: {  	_ =	shalt  }
0x48: {  	_ =	shalt  }
0x49: {  	_ =	shalt  }
0x4a: {  	_ =	shalt  }
0x4b: {  	_ =	shalt  }
0x4c: {  	_ =	shalt  }
0x4d: {  	_ =	shalt  }
0x4e: {  	_ =	shalt  }
0x4f: {  	_ =	shalt  }
0x50: {  	_ =	shalt  }
0x51: {  	_ =	shalt  }
0x52: {  	_ =	shalt  }
0x53: {  	_ =	shalt  }
0x54: {  	_ =	shalt  }
0x55: {  	_ =	shalt  }
0x56: {  	_ =	shalt  }
0x57: {  	_ =	shalt  }
0x58: {  	_ =	shalt  }
0x59: {  	_ =	shalt  }
0x5a: {  	_ =	shalt  }
0x5b: {  	_ =	shalt  }
0x5c: {  	_ =	shalt  }
0x5d: {  	_ =	shalt  }
0x5e: {  	_ =	shalt  }
0x5f: {  	_ =	shalt  }
0x60: {  	_ =	shalt  }
0x61: {  	_ =	shalt  }
0x62: {  	_ =	shalt  }
0x63: {  	_ =	shalt  }
0x64: {  	_ =	shalt  }
0x65: {  	_ =	shalt  }
0x66: {  	_ =	shalt  }
0x67: {  	_ =	shalt  }
0x68: {  	_ =	shalt  }
0x69: {  	_ =	shalt  }
0x6a: {  	_ =	shalt  }
0x6b: {  	_ =	shalt  }
0x6c: {  	_ =	shalt  }
0x6d: {  	_ =	shalt  }
0x6e: {  	_ =	shalt  }
0x6f: {  	_ =	shalt  }
0x70: {  	_ =	shalt  }
0x71: {  	_ =	shalt  }
0x72: {  	_ =	shalt  }
0x73: {  	_ =	shalt  }
0x74: {  	_ =	shalt  }
0x75: {  	_ =	shalt  }
0x76: {  	_ =	shalt  }
0x77: {  	_ =	shalt  }
0x78: {  	_ =	shalt  }
0x79: {  	_ =	shalt  }
0x7a: {  	_ =	shalt  }
0x7b: {  	_ =	shalt  }
0x7c: {  	_ =	shalt  }
0x7d: {  	_ =	shalt  }
0x7e: {  	_ =	shalt  }
0x7f: {  	_ =	shalt  }
0x80: {  	_ =	shalt  }
0x81: {  	_ =	shalt  }
0x82: {  	_ =	shalt  }
0x83: {  	_ =	shalt  }
0x84: {  	_ =	shalt  }
0x85: {  	_ =	shalt  }
0x86: {  	_ =	shalt  }
0x87: {  	_ =	shalt  }
.Lfunc_end0:
.L_simem_size_0:
called_computation.1_lowered:
.L_overlay_start_0:
0x88: {  	s2 =	sld [smem:$0x3FD9]  }
0x89: {  	s3 =	sld [smem:$0x3FFE];
	_ =	sdelay $0x1  }
0x8a: {  	s1 =	srdreg.scid  }
0x8b: {  	s0 =	sand.u32 $0x1, s1  }
0x8c: {  	s17 =	sshll.u32 s0, $0xA;
	s2 =	sadd.s32 s3, s2  }
0x8d: {  	s2 =	sadd.s32 s2, s17  }
0x8e: {  	[smem:$0x3FBC] =	sst s2  }
0x8f: {  	_ = 	snop  }
0x90: {  	s18 =	sld [smem:$0x3FC4];
	(tm) =	ssettm $0x1  }
0x91: {  	s19 =	sld [smem:$0x3FFB];
	_ =	sdelay $0x3  }
0x92: {  	_ =	strace s19  }
0x93: {  	s2 =	sld [smem:$0x3FFC];
	_ =	sdelay $0x3  }
0x94: {  	_ =	strace s2  }
0x95: {  	s2 =	sld [smem:$0x3FFD];
	_ =	sdelay $0x3  }
0x96: {  	_ =	strace s2  }
0x97: {  	_ =	strace $0x8FFFFFFF  }
0x98: {  	s20 =	sld [smem:$0x3FDB];
	_ =	sdelay $0x1  }
0x99: {  	s4 =	simm.s32 $_scs_section_size  }
0x9a: {  	s5 =	simm.s32 $_size__tile_overlayer_lowered;
	s6 =	simm.s32 $_tile_overlayer_lowered  }
0x9b: {  	s7 =	simm.s32 $0x1BFF;
	s21 =	sshll.u32 s6, $0x1;
	s4 =	sadd.s32 s4, s20  }
0x9c: {  	s22 =	simm.s32 $0x0;
	s5 =	sshll.u32 s5, $0x1;
	s6 =	sadd.s32 s21, s4  }
0x9d: {  	[timem:s22], [sflag:s7] =	dma.local [hbm:s6], s5  }
0x9e: {  	_ =	swait.ge [sflag:s7], s5  }
0x9f: {  	s5 =	ssub.s32 $0x0, s5;
	[sflag:s7] =	ssyncset.done $0x0  }
0xa0: {  	[sflag:s7] =	ssyncadd.s32 s5;
	_ =	sdelay $0x1  }
0xa1: {  	s23 =	simm.s32 $0x1B8B  }
0xa2: {  	_ =	swait.ge [sflag:s23], $0x1  }
0xa3: {  	[sflag:s23] =	ssyncset.done $0x0  }
0xa4: {  	[sflag:s23] =	ssyncadd.s32 $0xFFFFFFFF  }
0xa5: {  	s5 =	sld [smem:$0x0]  }
0xa6: {  	s6 =	sand.u32 $0xFFFFFFFE, s1  }
0xa7: {  	p0 =	sne.s32 s1, s6  }
0xa8: {  	s6 =	sshll.u32 @p0 s6, $0xE  }
0xa9: {  	s6 =	sadd.s32 @p0 $0x11B8D, s6;
	s7 =	sshll.u32 @p0 s5, $0x11  }
0xaa: {  	s6 =	sor.u32 @p0 s7, s6  }
0xab: {  	[sflag:s6] =	ssyncadd.remote.s32 @p0 $0x1;
	_ =	sdelay $0x1  }
0xac: {  	s6 =	simm.s32 @p0 $0x1B8D  }
0xad: {  	_ =	swait.eq @p0 [sflag:s6], $0x1  }
0xae: {  	[sflag:s6] =	ssyncadd.s32 @p0 $0xFFFFFFFF  }
0xaf: {  	s7 =	sshll.u32 @!p0 s1, $0xE  }
0xb0: {  	s7 =	sor.u32 @!p0 $0x4000, s7;
	s6 =	simm.s32 @!p0 $0x1B8D  }
0xb1: {  	s5 =	sshll.u32 @!p0 s5, $0x11;
	s7 =	sadd.s32 @!p0 $0x11B8D, s7;
	_ =	swait.eq @!p0 [sflag:s6], $0x1  }
0xb2: {  	s5 =	sor.u32 @!p0 s5, s7;
	[sflag:s6] =	ssyncadd.s32 @!p0 $0xFFFFFFFF  }
0xb3: {  	s25 =	simm.s32 $0x1B8E;
	s24 =	sld [smem:$0x3FFE];
	[sflag:s5] =	ssyncadd.remote.s32 @!p0 $0x1  }
0xb4: {  	s26 =	simm.s32 $execute0_lowered;
	[smem:$0x3FD2] =	sst s25  }
0xb5: {  	s6 =	sshll.u32 s26, $0x1;
	_ =	strace $0x8000004F;
	[dreg:$0x1] =	wrdreg $0xFFFFFFFF  }
0xb6: {  	s28 =	simm.s32 $_size_execute0_lowered;
	s4 =	sadd.s32 s4, s6;
	[dreg:$0x0] =	wrdreg $0x0  }
0xb7: {  	s6 =	sshll.u32 s28, $0x1;
	[dreg:$0x2] =	wrdreg s4  }
0xb8: {  	[dreg:$0x3] =	wrdreg s6  }
0xb9: {  	[dreg:$0x4] =	wrdreg $0xC0  }
0xba: {  	_ =	task [dreg:s22], $0x5FFFF  }
0xbb: {  	[dreg:$0x1] =	wrdreg $0xFFFFFFFF  }
0xbc: {  	[dreg:$0x0] =	wrdreg $0x60  }
0xbd: {  	[dreg:$0x2] =	wrdreg s18  }
0xbe: {  	[dreg:$0x3] =	wrdreg s24  }
0xbf: {  	[dreg:$0x4] =	wrdreg $0x9  }
0xc0: {  	_ =	task.clear_ibuf [dreg:s22], $0x5FFFF;
	_ =	strace $0x9000004F  }
0xc1: {  	s29 =	simm.s32 $0x9;
	_ =	strace $0x80000051  }
0xc2: {  	_ =	swait.ge [sflag:s29], $0x1  }
0xc3: {  	[sflag:s29] =	ssyncadd.s32 $0xFFFFFFFF  }
0xc4: {  	_ =	strace $0x90000051  }
0xc5: {  	_ =	sfence  }
0xc6: {  	s30 =	sld [smem:$0x0];
	_ =	sdelay $0x2  }
0xc7: {  	s31 =	sshll.u32 s1, $0xD;
	s1 =	sshrl.u32 s1, $0x2  }
0xc8: {  	s4 =	sand.u32 $0x4000, s31;
	s1 =	sadd.s32 s1, s30  }
0xc9: {  	s0 =	sor.u32 s4, s0;
	s1 =	sshll.u32 s1, $0x11  }
0xca: {  	s0 =	sor.u32 s1, s0  }
0xcb: {  	s0 =	sadd.s32 $0x8F2B, s0  }
0xcc: {  	[sflag:s0] =	ssyncadd.remote.s32 $0x1  }
0xcd: {  	_ =	sfence.sel $0xFFFF  }
0xce: {  	[dreg:$0x0] =	wrdreg $0xFFFFFFFF;
	(pc) =	sbr.abs _section_cstart, $3  }
0xcf: {  	[dreg:$0x1] =	wrdreg $0xFFFFFFFF  }
0xd0: {  	_ =	task.clear_ibuf [dreg:s22], $0x2FFFF;
	_ =	strace $0x9FFFFFFF  }
0xd1: {  	(tm) =	ssettm $0x7FFFFFFF  }
tec
execute0_lowered:
.L_overlay_start_1:
0x0: {  	(tag) =	ssettag $0x1  }
0x1: {  	s2 =	rddreg [dreg:$0x0];
	s0 =	srdreg.scid  }
0x2: {  	s5 =	rddreg [dreg:$0x1];
	s1 =	stileid.u32;
	s6 =	simm.s32 $0x1  }
0x3: {  	s9 =	simm.s32 $0x1;
	s10 =	simm.s32 $0x3;
	s3 =	sshll.u32 s0, $0xB  }
0x4: {  	s13 =	simm.s32 $0x0;
	s4 =	sshll.u32 s1, $0xC;
	s3 =	sand.u32 $0x800, s3  }
0x5: {  	s0 =	rddreg [dreg:$0x2];
	_ =	strace $0x80000050;
	s3 =	sor.u32 s4, s3  }
0x6: {  	s12 =	simm.s32 $0x0;
	[sflag:s6] =	ssyncpa.u1 $0x0;
	s8 =	ssub.s32 $0x20000, s3  }
.Ltmp0:
0x7: {  	s4 =	sadd.s32 $0x927200, s5;
	s7 =	sand.u32 $0xF800, s8;
	(pc) =	sbr.rel .LBB2_1-.Ltmp0, $4  }
0x8: {  	s5 =	sadd.s32 $0xEA00, s5;
	s11 =	smov.u32 s3;
	p0 =	sne.s32 s7, $0x0  }
0x9: {  	s8 =	sshrl.u32 s8, $0x10;
	s7 =	simm.s32 $0x2;
	s9 =	simm.s32 @!p0 $0x0  }
0xa: {  	[sflag:s7] =	ssyncpa.u1 $0x0;
	p0 =	por $0x0, $0x0;
	s8 =	sadd.s32 s9, s8  }
0xb: {  	vm0 =	vmmov $0xffff;
	v0 =	vimm.s32 $0x0;
	[sflag:s10] =	ssyncpa.u1 $0x0;
	s10 =	simm.s32 $0x0;
	s9 =	sadd.s32 $0x1, s8  }
.LBB2_4:
0xc: {  	vm1 =	veq.s32 v1, $0x80000000;
	vm2 =	veq.s32 v4, $0x1;
	v1 =	vand.u32 $0x7FFF80, v3  }
0xd: {  	v3 =	vand.u32 $0x7F, v3;
	v4 =	vsel vm2, $0x480000, v0;
	v1 =	vsel vm1, $0xFFFFFF80, v1  }
0xe: {  	v3 =	vsel vm1, $0xFFFFFFFF, v3;
	v4 =	vsel vm1, $0xFFB80000, v4;
	v5 =	vand.u32 $0xFFFFFC00, v1  }
0xf: {  	v63 =	vand.u32 $0xFFFFFC00, v3;
	v4 =	vadd.s32 v4, v5  }
0x10: {  	v1 =	vand.u32 $0x380, v1;
	v4 =	vadd.s32 v63, v4  }
0x11: {  	v3 =	vand.u32 $0x7F, v3;
	v1 =	vor.u32 v1, v4  }
0x12: {  	v1 =	vor.u32 v3, v1;
	_ =	sdelay $0x1  }
0x13: {  	(ifvalue) =	ssetifvalue $0x7FFFFFFF;
	s15 =	sadd.s32 $0x10, s15  }
0x14: {  	[tilespmem:s15], [sflag:$0x1] =	stream.indirect_vreg.gather [hbm4b:s2+s10], $0x1, v2, vm0, $0x4038;
	[tilespmem:$0x2000] =	vst v63  }
0x15: {  	(ifvalue) =	ssetifvalue $0x7FFFFFFF;
	s15 =	sadd.s32 $0x10, s15  }
0x16: {  	[tilespmem:s15], [sflag:$0x1] =	stream.indirect_vreg.gather [hbm4b:s2+s10], $0x1, v1, vm0, $0x4038;
	[tilespmem:$0x2000] =	vst v63  }
0x17: {  	_ =	swait.ge [sflag:s6], $0x800  }
0x18: {  	s30 =	sshrl.u32 s13, $0x3;
	[sflag:s6] =	ssyncset.done $0x0  }
0x19: {  	s31 =	sand.u32 $0x7, s13;
	s15 =	sadd.s32 s5, s30;
	[sflag:s6] =	ssyncadd.s32 $0xFFFFF800  }
0x1a: {  	[hbm4b:s15+s31] =	stream.linear.scatter [tilespmem:s14], [sflag:$0x3], $0x800, $0x38;
	[tilespmem:$0x2000] =	vst v63  }
.LBB2_5:
0x1b: {  	s15 =	sadd.s32 $0x10000, s11  }
0x1c: {  	p2 =	sgt.s32 s15, $0x1FFFF  }
0x1d: {  	s15 =	smov.u32 @p2 s3;
	p2 =	sne.s32 s12, s9  }
.Ltmp1:
0x1e: {  	p1 =	slt.u32 s12, $0x2;
	(pc) =	sbr.rel @!p2 .LBB2_6-.Ltmp1, $4  }
0x1f: {  	s14 =	simm.s32 @!p1 $0x3  }
0x20: {  	s16 =	sadd.s32 $0x1, s12;
	_ =	swait.ge @!p1 [sflag:s14], $0x800  }
0x21: {  	s13 =	smov.u32 s11;
	p0 =	por !p0, !p0;
	[sflag:s14] =	ssyncset.done @!p1 $0x0  }
0x22: {  	s12 =	smov.u32 s16;
	s11 =	smov.u32 s15;
	[sflag:s14] =	ssyncadd.s32 @!p1 $0xFFFFF800  }
.LBB2_1:
0x23: {  	p1 =	sge.u32 s12, s8  }
0x24: {  	s14 =	sxor.u32 @!p1 $0xFFFFFFFF, s12  }
0x25: {  	s31 =	sadd.s32 $0xFFFFFFFF, s12;
	s15 =	sshrl.u32 @!p1 s11, $0x3;
	s14 =	sshll.u32 @!p1 s14, $0xB  }
0x26: {  	s16 =	sand.u32 @!p1 $0x7, s11;
	s15 =	sadd.s32 @!p1 s4, s15;
	s14 =	sand.u32 @!p1 $0x800, s14  }
0x27: {  	[tilespmem:s14], [sflag:$0x2] =	stream.linear.gather @!p1 [hbm4b:s15+s16], $0x800, $0x38;
	[tilespmem:$0x2000] =	vst v63  }
0x28: {  	p1 =	sge.u32 s31, s8  }
.Ltmp2:
0x29: {  	_ = 	snop;
	(pc) =	sbr.rel @p1 .LBB2_5-.Ltmp2, $1  }
0x2a: {  	_ =	sdelay $0x3  }
0x2b: {  	s14 =	simm.s32 $0x1  }
0x2c: {  	_ =	swait.ge [sflag:s7], $0x800;
	s14 =	simm.s32 @!p0 $0x0  }
0x2d: {  	[sflag:s7] =	ssyncset.done $0x0;
	s14 =	sshll.u32 s14, $0xB  }
0x2e: {  	[sflag:s7] =	ssyncadd.s32 $0xFFFFF800;
	(ifvalue) =	ssetifvalue $0x7FFFFFFF;
	v1 =	vld.msk [tilespmem:s14+$0x0 ss:$0x1], $0xffff;
	_ =	sdelay $0x4  }
0x2f: {  	v2 =	vshrl.u32 v1, $0x1;
	v3 =	vand.u32 $0x1, v1  }
0x30: {  	s15 =	sadd.s32 $0x10, s14;
	vm1 =	veq.s32 v1, $0x80000000;
	vm2 =	veq.s32 v3, $0x1;
	v1 =	vand.u32 $0x7FFF80, v2  }
0x31: {  	v3 =	vld.msk [tilespmem:s15+$0x0 ss:$0x1], $0xffff;
	v2 =	vand.u32 $0x7F, v2;
	v4 =	vsel vm2, $0x480000, v0;
	v1 =	vsel vm1, $0xFFFFFF80, v1  }
0x32: {  	v2 =	vsel vm1, $0xFFFFFFFF, v2;
	v4 =	vsel vm1, $0xFFB80000, v4;
	v5 =	vand.u32 $0xFFFFFC00, v1  }
0x33: {  	v4 =	vadd.s32 v4, v5;
	v5 =	vand.u32 $0xFFFFFC00, v2  }
0x34: {  	v1 =	vand.u32 $0x380, v1;
	v4 =	vadd.s32 v5, v4  }
0x35: {  	v2 =	vand.u32 $0x7F, v2;
	v1 =	vor.u32 v1, v4  }
0x36: {  	v4 =	vshrl.u32 v3, $0x1;
	v5 =	vand.u32 $0x1, v3;
	vm1 =	veq.s32 v3, $0x80000000  }
0x37: {  	s17 =	sadd.s32 $0x10, s15;
	v2 =	vor.u32 v2, v1;
	vm2 =	veq.s32 v5, $0x1;
	v3 =	vand.u32 $0x7FFF80, v4  }
0x38: {  	v1 =	vld.msk [tilespmem:s17+$0x0 ss:$0x1], $0xffff;
	v4 =	vand.u32 $0x7F, v4;
	v5 =	vsel vm2, $0x480000, v0;
	v3 =	vsel vm1, $0xFFFFFF80, v3  }
0x39: {  	v4 =	vsel vm1, $0xFFFFFFFF, v4;
	v5 =	vsel vm1, $0xFFB80000, v5;
	v6 =	vand.u32 $0xFFFFFC00, v3  }
0x3a: {  	s31 =	sshll.u32 s12, $0xB;
	v5 =	vadd.s32 v5, v6;
	v6 =	vand.u32 $0xFFFFFC00, v4  }
0x3b: {  	s15 =	sor.u32 $0x1000, s14;
	s14 =	sand.u32 $0x800, s31;
	(ifvalue) =	ssetifvalue $0x7FFFFFFF;
	v3 =	vand.u32 $0x380, v3;
	v5 =	vadd.s32 v6, v5  }
0x3c: {  	[tilespmem:s15], [sflag:$0x1] =	stream.indirect_vreg.gather [hbm4b:s2+s10], $0x1, v2, vm0, $0x4038;
	v2 =	vand.u32 $0x7F, v4;
	v5 =	vor.u32 v3, v5;
	[tilespmem:$0x2000] =	vst v63  }
0x3d: {  	s16 =	simm.s32 $0x20;
	s14 =	sor.u32 $0x1000, s14;
	s17 =	sadd.s32 $0x10, s17;
	v3 =	vshrl.u32 v1, $0x1;
	v4 =	vand.u32 $0x1, v1;
	v2 =	vor.u32 v2, v5  }
.LBB2_3:
0x3e: {  	s16 =	sadd.s32 $0x10, s16;
	vm1 =	veq.s32 v1, $0x80000000;
	v1 =	vld.msk [tilespmem:s17+$0x0 ss:$0x1], $0xffff;
	vm2 =	veq.s32 v4, $0x1;
	v4 =	vand.u32 $0x7FFF80, v3  }
0x3f: {  	v3 =	vand.u32 $0x7F, v3;
	p1 =	slt.u32 s16, $0x7F0;
	v5 =	vsel vm2, $0x480000, v0;
	v4 =	vsel vm1, $0xFFFFFF80, v4  }
.Ltmp3:
0x40: {  	v3 =	vsel vm1, $0xFFFFFFFF, v3;
	v5 =	vsel vm1, $0xFFB80000, v5;
	v6 =	vand.u32 $0xFFFFFC00, v4;
	(pc) =	sbr.rel @p1 .LBB2_3-.Ltmp3, $4  }
0x41: {  	s15 =	sadd.s32 $0x10, s15;
	v5 =	vadd.s32 v5, v6;
	v6 =	vand.u32 $0xFFFFFC00, v3;
	(ifvalue) =	ssetifvalue $0x7FFFFFFF  }
0x42: {  	v4 =	vand.u32 $0x380, v4;
	v5 =	vadd.s32 v6, v5;
	[tilespmem:s15], [sflag:$0x1] =	stream.indirect_vreg.gather [hbm4b:s2+s10], $0x1, v2, vm0, $0x4038;
	[tilespmem:$0x2000] =	vst v63  }
0x43: {  	v2 =	vand.u32 $0x7F, v3;
	v5 =	vor.u32 v4, v5  }
0x44: {  	s17 =	sadd.s32 $0x10, s17;
	v3 =	vshrl.u32 v1, $0x1;
	v4 =	vand.u32 $0x1, v1;
	v2 =	vor.u32 v2, v5  }
.Ltmp4:
0x45: {  	_ = 	snop;
	(pc) =	sbr.rel .LBB2_4-.Ltmp4, $1  }
0x46: {  	_ =	sdelay $0x3  }
.LBB2_6:
0x47: {  	_ =	sfence.sel $0x180000  }
0x48: {  	s2 =	simm.s32 $0x2;
	[bflag:$0x0] =	sbarrier.arrive $0xFFFF  }
0x49: {  	s30 =	simm.s32 $0x3;
	[sflag:s2] =	ssyncpa.u1 $0x1  }
0x4a: {  	s31 =	simm.s32 $0x1;
	[sflag:s30] =	ssyncpa.u1 $0x1  }
0x4b: {  	[sflag:s31] =	ssyncpa.u1 $0x1  }
0x4c: {  	p0 =	sne.s32 s1, $0x0;
	_ =	strace $0x90000050  }
0x4d: {  	s0 =	sadd.s32 @!p0 $0x100000, s0;
	[bflag:$0x2] =	sbarrier.arrive $0xFFFF  }
0x4e: {  	[sflag:s0] =	ssyncadd.tile.s32 @!p0 $0x1;
	_ =	shalt  }
.Lfunc_end2:
_tile_overlayer_lowered:
.L_overlay_start_2:
0x4f: {  	(tag) =	ssettag $0x2  }
0x50: {  	s0 =	rddreg [dreg:$0x0];
	s2 =	stileid.u32  }
0x51: {  	s1 =	rddreg [dreg:$0x1];
	p0 =	sne.s32 s2, $0x0  }
0x52: {  	s3 =	rddreg [dreg:$0x2];
	[bflag:$0x3] =	sbarrier.arrive $0xFFFF;
	s2 =	simm.s32 @!p0 $0x1C01  }
0x53: {  	[timem:s3], [sflag:s2] =	dma.local @!p0 [hbm:s0], s1  }
0x54: {  	s0 =	simm.s32 @!p0 $0x1  }
0x55: {  	_ =	swait.ge @!p0 [sflag:s0], s1  }
0x56: {  	s1 =	ssub.s32 @!p0 $0x0, s1;
	[sflag:s0] =	ssyncset.done @!p0 $0x0  }
0x57: {  	[sflag:s0] =	ssyncadd.s32 @!p0 s1  }
0x58: {  	[bflag:$0x3] =	sbarrier.arrive $0xFFFF  }
0x59: {  	_ =	shalt  }

// kernel: gather_offload_async_start.2
scs
__scs_entry_jumppad:
0x0: {  	(pc) =	sbr.rel $0x88, $3  }
0x1: {  	(tag) =	ssettag $0x0;
	lr =	simm.s32 $0x1  }
0x2: {  	[smem:$0x3F95] =	sst lr;
	_ =	strace $0xD0000000  }
0x3: {  	_ = 	snop  }
0x4: {  	_ = 	snop  }
0x5: {  	_ = 	snop  }
0x6: {  	_ = 	snop  }
0x7: {  	_ = 	snop  }
__scs_overlays_trampoline_lowered:
0x8: {  	[smem:$0x3FA4] =	sst s0  }
0x9: {  	[smem:$0x3FA5] =	sst s1  }
0xa: {  	[smem:$0x3FA6] =	sst s2  }
0xb: {  	[smem:$0x3FA7] =	sst s3  }
0xc: {  	[smem:$0x3FA8] =	sst s4  }
0xd: {  	[smem:$0x3FA9] =	sst s5  }
0xe: {  	[smem:$0x3FAA] =	sst s6  }
0xf: {  	[smem:$0x3FAB] =	sst s7  }
0x10: {  	[smem:$0x3FAC] =	sst s8  }
0x11: {  	[smem:$0x3FAD] =	sst s9;
	s0 =	simm.s32 @!p0 $0x0  }
0x12: {  	s1 =	sld [smem:$0x3F93];
	s0 =	simm.s32 @p0 $0x1  }
0x13: {  	[smem:$0x3FAE] =	sst s0;
	s0 =	simm.s32 @!p1 $0x0  }
0x14: {  	s2 =	sld [smem:$0x3F92];
	s0 =	simm.s32 @p1 $0x1  }
0x15: {  	[smem:$0x3FAF] =	sst s0;
	s0 =	simm.s32 @!p2 $0x0  }
0x16: {  	s3 =	sld [smem:$0x3FDB];
	s0 =	simm.s32 @p2 $0x1  }
0x17: {  	s4 =	simm.s32 $0x1BF5;
	[smem:$0x3FB1] =	sst s0  }
0x18: {  	s0 =	sld [smem:$0x3F94];
	_ =	swait.ge [sflag:s4], $0x0  }
0x19: {  	s7 =	sld [smem:$0x3F95]  }
0x1a: {  	s8 =	sadd.s32 $0xFFFFE003, lr  }
0x1b: {  	s9 =	sadd.s32 $0xFFFFFEF7, lr;
	s5 =	simm.s32 $0xFFFFFFFF;
	p2 =	slt.u32 s8, $0xFFFFF086  }
0x1c: {  	p1 =	slt.u32 s9, $0xF7A;
	s5 =	simm.s32 @!p2 $0x0  }
0x1d: {  	s5 =	simm.s32 @p1 $0x1;
	p0 =	seq.s32 s7, s2  }
0x1e: {  	s7 =	smul.u32 @!p0 $0xF7A, s2;
	p2 =	seq.s32 @!p0 s5, $0x0  }
0x1f: {  	s9 =	smul.u32 $0xF7A, s1;
	s8 =	simm.s32 @!p0 $0x1BF5;
	p2 =	por !p2, p0  }
0x20: {  	[sflag:s8] =	ssyncset.s32 @!p0 $0xFFFFF086;
	s6 =	sadd.s32 @!p0 s3, s7;
	s7 =	simm.s32 @!p0 $0x108  }
0x21: {  	s3 =	sadd.s32 s3, s9;
	s6 =	sadd.s32 @!p0 $0x88, s6;
	s7 =	simm.s32 @p2 $0x1082  }
0x22: {  	[simem:s7], [sflag:s8] =	dma.local @!p0 [hbm:s6], $0xF7A  }
0x23: {  	s9 =	sor.u32 $0xD0000000, s2;
	s6 =	simm.s32 $0x108;
	_ =	swait.ge @!p0 [sflag:s8], $0x0  }
0x24: {  	s3 =	sadd.s32 $0x88, s3;
	s6 =	simm.s32 @!p1 $0x1082;
	[sflag:s4] =	ssyncset.s32 $0xFFFFF086  }
0x25: {  	[simem:s6], [sflag:s4] =	dma.local [hbm:s3], $0xF7A  }
0x26: {  	[smem:$0x3F95] =	sst s1;
	(tag) =	ssettag s2;
	_ =	strace s9  }
0x27: {  	s1 =	sld [smem:$0x3FA5]  }
0x28: {  	s2 =	sld [smem:$0x3FA6]  }
0x29: {  	s4 =	sld [smem:$0x3FA8]  }
0x2a: {  	p0 =	seq.s32 s5, $0x0;
	s5 =	sld [smem:$0x3FA9]  }
0x2b: {  	s6 =	sld [smem:$0x3FAA]  }
0x2c: {  	s7 =	sld [smem:$0x3FAB]  }
0x2d: {  	s3 =	simm.s32 $0x108;
	s8 =	sld [smem:$0x3FAC]  }
0x2e: {  	s3 =	simm.s32 @!p0 $0x1082;
	s9 =	sld [smem:$0x3FAD]  }
0x2f: {  	lr =	sadd.s32 s0, s3;
	s0 =	sld [smem:$0x3FA4]  }
0x30: {  	s3 =	sld [smem:$0x3FA7]  }
0x31: {  	[smem:$0x3FB0] =	sst s10  }
0x32: {  	s10 =	sld [smem:$0x3FAE];
	_ =	sdelay $0x3  }
0x33: {  	p0 =	seq.s32 s10, $0x1;
	s10 =	sld [smem:$0x3FB0];
	_ =	sdelay $0x3  }
0x34: {  	[smem:$0x3FB0] =	sst s10  }
0x35: {  	s10 =	sld [smem:$0x3FAF];
	_ =	sdelay $0x3  }
0x36: {  	p1 =	seq.s32 s10, $0x1;
	s10 =	sld [smem:$0x3FB0];
	_ =	sdelay $0x3  }
0x37: {  	[smem:$0x3FB0] =	sst s10  }
0x38: {  	s10 =	sld [smem:$0x3FB1]  }
0x39: {  	_ = 	snop;
	(pc) =	sbr.ind lr, $3  }
0x3a: {  	_ = 	snop  }
0x3b: {  	_ = 	snop  }
0x3c: {  	p2 =	seq.s32 s10, $0x1;
	s10 =	sld [smem:$0x3FB0]  }
0x3d: {  	_ =	shalt  }
0x3e: {  	_ =	shalt  }
0x3f: {  	_ =	shalt  }
0x40: {  	_ =	shalt  }
0x41: {  	_ =	shalt  }
0x42: {  	_ =	shalt  }
0x43: {  	_ =	shalt  }
0x44: {  	_ =	shalt  }
0x45: {  	_ =	shalt  }
0x46: {  	_ =	shalt  }
0x47: {  	_ =	shalt  }
0x48: {  	_ =	shalt  }
0x49: {  	_ =	shalt  }
0x4a: {  	_ =	shalt  }
0x4b: {  	_ =	shalt  }
0x4c: {  	_ =	shalt  }
0x4d: {  	_ =	shalt  }
0x4e: {  	_ =	shalt  }
0x4f: {  	_ =	shalt  }
0x50: {  	_ =	shalt  }
0x51: {  	_ =	shalt  }
0x52: {  	_ =	shalt  }
0x53: {  	_ =	shalt  }
0x54: {  	_ =	shalt  }
0x55: {  	_ =	shalt  }
0x56: {  	_ =	shalt  }
0x57: {  	_ =	shalt  }
0x58: {  	_ =	shalt  }
0x59: {  	_ =	shalt  }
0x5a: {  	_ =	shalt  }
0x5b: {  	_ =	shalt  }
0x5c: {  	_ =	shalt  }
0x5d: {  	_ =	shalt  }
0x5e: {  	_ =	shalt  }
0x5f: {  	_ =	shalt  }
0x60: {  	_ =	shalt  }
0x61: {  	_ =	shalt  }
0x62: {  	_ =	shalt  }
0x63: {  	_ =	shalt  }
0x64: {  	_ =	shalt  }
0x65: {  	_ =	shalt  }
0x66: {  	_ =	shalt  }
0x67: {  	_ =	shalt  }
0x68: {  	_ =	shalt  }
0x69: {  	_ =	shalt  }
0x6a: {  	_ =	shalt  }
0x6b: {  	_ =	shalt  }
0x6c: {  	_ =	shalt  }
0x6d: {  	_ =	shalt  }
0x6e: {  	_ =	shalt  }
0x6f: {  	_ =	shalt  }
0x70: {  	_ =	shalt  }
0x71: {  	_ =	shalt  }
0x72: {  	_ =	shalt  }
0x73: {  	_ =	shalt  }
0x74: {  	_ =	shalt  }
0x75: {  	_ =	shalt  }
0x76: {  	_ =	shalt  }
0x77: {  	_ =	shalt  }
0x78: {  	_ =	shalt  }
0x79: {  	_ =	shalt  }
0x7a: {  	_ =	shalt  }
0x7b: {  	_ =	shalt  }
0x7c: {  	_ =	shalt  }
0x7d: {  	_ =	shalt  }
0x7e: {  	_ =	shalt  }
0x7f: {  	_ =	shalt  }
0x80: {  	_ =	shalt  }
0x81: {  	_ =	shalt  }
0x82: {  	_ =	shalt  }
0x83: {  	_ =	shalt  }
0x84: {  	_ =	shalt  }
0x85: {  	_ =	shalt  }
0x86: {  	_ =	shalt  }
0x87: {  	_ =	shalt  }
.Lfunc_end0:
.L_simem_size_0:
called_computation.2_lowered:
.L_overlay_start_0:
0x88: {  	s2 =	sld [smem:$0x3FD9]  }
0x89: {  	s3 =	sld [smem:$0x3FFE];
	_ =	sdelay $0x1  }
0x8a: {  	s1 =	srdreg.scid  }
0x8b: {  	s0 =	sand.u32 $0x1, s1  }
0x8c: {  	s16 =	sshll.u32 s0, $0xA;
	s2 =	sadd.s32 s3, s2  }
0x8d: {  	s2 =	sadd.s32 s2, s16  }
0x8e: {  	[smem:$0x3FBC] =	sst s2  }
0x8f: {  	_ = 	snop  }
0x90: {  	(tm) =	ssettm $0x1  }
0x91: {  	s17 =	sld [smem:$0x3FFB];
	_ =	sdelay $0x3  }
0x92: {  	_ =	strace s17  }
0x93: {  	s2 =	sld [smem:$0x3FFC];
	_ =	sdelay $0x3  }
0x94: {  	_ =	strace s2  }
0x95: {  	s2 =	sld [smem:$0x3FFD];
	_ =	sdelay $0x3  }
0x96: {  	_ =	strace s2  }
0x97: {  	_ =	strace $0x8FFFFFFF  }
0x98: {  	s18 =	sld [smem:$0x3FDB];
	_ =	sdelay $0x1  }
0x99: {  	s19 =	simm.s32 $_scs_section_size  }
0x9a: {  	s4 =	simm.s32 $_size__tile_overlayer_lowered;
	s5 =	simm.s32 $_tile_overlayer_lowered  }
0x9b: {  	s22 =	simm.s32 $0x1BFF;
	s21 =	sshll.u32 s5, $0x1;
	s2 =	sadd.s32 s19, s18  }
0x9c: {  	s6 =	simm.s32 $0x0;
	s20 =	sshll.u32 s4, $0x1;
	s4 =	sadd.s32 s21, s2  }
0x9d: {  	[timem:s6], [sflag:s22] =	dma.local [hbm:s4], s20  }
0x9e: {  	_ =	swait.ge [sflag:s22], s20  }
0x9f: {  	s3 =	ssub.s32 $0x0, s20;
	[sflag:s22] =	ssyncset.done $0x0  }
0xa0: {  	[sflag:s22] =	ssyncadd.s32 s3;
	_ =	sdelay $0x1  }
0xa1: {  	s23 =	simm.s32 $0x1B8B  }
0xa2: {  	_ =	swait.ge [sflag:s23], $0x1  }
0xa3: {  	[sflag:s23] =	ssyncset.done $0x0  }
0xa4: {  	s25 =	simm.s32 $0x1B8E;
	s24 =	sld [smem:$0x3FFE];
	[sflag:s23] =	ssyncadd.s32 $0xFFFFFFFF  }
0xa5: {  	s26 =	simm.s32 $execute0_lowered;
	[smem:$0x3FD2] =	sst s25  }
0xa6: {  	s4 =	sshll.u32 s26, $0x1;
	_ =	strace $0x80000049;
	[dreg:$0x1] =	wrdreg $0xFFFFFFFF  }
0xa7: {  	s28 =	simm.s32 $_size_execute0_lowered;
	s2 =	sadd.s32 s2, s4;
	[dreg:$0x0] =	wrdreg $0x0  }
0xa8: {  	s4 =	sshll.u32 s28, $0x1;
	[dreg:$0x2] =	wrdreg s2  }
0xa9: {  	[dreg:$0x3] =	wrdreg s4  }
0xaa: {  	[dreg:$0x4] =	wrdreg $0xC0  }
0xab: {  	_ =	task [dreg:s6], $0x5FFFF  }
0xac: {  	[dreg:$0x1] =	wrdreg $0xFFFFFFFF  }
0xad: {  	[dreg:$0x0] =	wrdreg $0x60  }
0xae: {  	[dreg:$0x2] =	wrdreg s24  }
0xaf: {  	[dreg:$0x3] =	wrdreg $0x9  }
0xb0: {  	_ =	task.clear_ibuf [dreg:s6], $0x4FFFF;
	_ =	strace $0x90000049  }
0xb1: {  	s29 =	simm.s32 $0x9;
	_ =	strace $0x8000004B  }
0xb2: {  	_ =	swait.ge [sflag:s29], $0x1  }
0xb3: {  	[sflag:s29] =	ssyncadd.s32 $0xFFFFFFFF  }
0xb4: {  	_ =	strace $0x9000004B  }
0xb5: {  	_ =	sfence  }
0xb6: {  	s30 =	sld [smem:$0x0];
	_ =	sdelay $0x2  }
0xb7: {  	s31 =	sshll.u32 s1, $0xD;
	s1 =	sshrl.u32 s1, $0x2  }
0xb8: {  	s3 =	sand.u32 $0x4000, s31;
	s1 =	sadd.s32 s1, s30  }
0xb9: {  	s0 =	sor.u32 s3, s0;
	s1 =	sshll.u32 s1, $0x11  }
0xba: {  	s0 =	sor.u32 s1, s0  }
0xbb: {  	s0 =	sadd.s32 $0x8F2B, s0  }
0xbc: {  	[sflag:s0] =	ssyncadd.remote.s32 $0x1  }
0xbd: {  	_ =	sfence.sel $0xFFFF  }
0xbe: {  	[dreg:$0x0] =	wrdreg $0xFFFFFFFF;
	(pc) =	sbr.abs _section_cstart, $3  }
0xbf: {  	[dreg:$0x1] =	wrdreg $0xFFFFFFFF  }
0xc0: {  	_ =	task.clear_ibuf [dreg:s6], $0x2FFFF;
	_ =	strace $0x9FFFFFFF  }
0xc1: {  	(tm) =	ssettm $0x7FFFFFFF  }
tec
execute0_lowered:
.L_overlay_start_1:
0x0: {  	(tag) =	ssettag $0x1  }
0x1: {  	s0 =	srdreg.scid;
	s5 =	rddreg [dreg:$0x0]  }
0x2: {  	s1 =	stileid.u32;
	s6 =	simm.s32 $0x1;
	s9 =	simm.s32 $0x1  }
0x3: {  	s10 =	simm.s32 $0x3;
	s13 =	simm.s32 $0x0;
	s2 =	sshll.u32 s0, $0xD  }
0x4: {  	s12 =	simm.s32 $0x0;
	s3 =	sshll.u32 s1, $0xE;
	s2 =	sand.u32 $0x2000, s2  }
0x5: {  	s0 =	rddreg [dreg:$0x1];
	_ =	strace $0x8000004A;
	s2 =	sor.u32 s3, s2  }
0x6: {  	s4 =	sadd.s32 $0x493000, s5;
	[sflag:s6] =	ssyncpa.u1 $0x0;
	s8 =	ssub.s32 $0x80000, s2  }
.Ltmp0:
0x7: {  	s3 =	sadd.s32 $0x4A3000, s5;
	s7 =	sand.u32 $0x3E000, s8;
	(pc) =	sbr.rel .LBB2_1-.Ltmp0, $4  }
0x8: {  	s5 =	sadd.s32 $0x12C00, s5;
	s11 =	smov.u32 s2;
	p0 =	sne.s32 s7, $0x0  }
0x9: {  	s8 =	sshrl.u32 s8, $0x12;
	s7 =	simm.s32 $0x2;
	s9 =	simm.s32 @!p0 $0x0  }
0xa: {  	[sflag:s7] =	ssyncpa.u1 $0x0;
	p0 =	por $0x0, $0x0;
	s8 =	sadd.s32 s9, s8  }
0xb: {  	vm0 =	vmmov $0xffff;
	v0 =	vimm.s32 $0x0;
	[sflag:s10] =	ssyncpa.u1 $0x0;
	s10 =	simm.s32 $0x0;
	s9 =	sadd.s32 $0x1, s8  }
.LBB2_4:
0xc: {  	v4 =	vand.u32 $0x7F, v4;
	v5 =	vsel vm1, $0xFFFFFFFF, v5;
	v2 =	vand.u32 $0xFFFF, v2  }
0xd: {  	vm2 =	veq.s32 v3, $0x1;
	v6 =	vshrl.u32 v5, $0x2;
	v3 =	vmul.u32 $0x24000, v4  }
0xe: {  	v2 =	vsel vm1, $0xFFFFFFFF, v2;
	v61 =	vsel vm2, $0x1200000, v0;
	v6 =	vmul.u32 $0x24000, v6  }
0xf: {  	v7 =	vand.u32 $0x7F, v2;
	v3 =	vadd.s32 v61, v3  }
0x10: {  	v2 =	vshll.u32 v2, $0x2;
	v3 =	vsel vm1, $0xFEDDC000, v3;
	v62 =	vor.u32 v7, v6  }
0x11: {  	v5 =	vshll.u32 v5, $0x7;
	v2 =	vand.u32 $0xFFFFFE00, v2;
	v3 =	vadd.s32 v3, v62  }
0x12: {  	v63 =	vand.u32 $0x180, v5;
	v2 =	vadd.s32 v2, v3  }
0x13: {  	v2 =	vor.u32 v63, v2;
	_ =	sdelay $0x1  }
0x14: {  	(ifvalue) =	ssetifvalue $0x7FFFFFFF;
	s14 =	sadd.s32 $0x10, s14  }
0x15: {  	[tilespmem:s14], [sflag:$0x1] =	stream.indirect_vreg.gather [hbm4b:s3+s10], $0x1, v1, vm0, $0x4038;
	[tilespmem:$0x8000] =	vst v63  }
0x16: {  	(ifvalue) =	ssetifvalue $0x7FFFFFFF;
	s14 =	sadd.s32 $0x10, s14  }
0x17: {  	[tilespmem:s14], [sflag:$0x1] =	stream.indirect_vreg.gather [hbm4b:s3+s10], $0x1, v2, vm0, $0x4038;
	[tilespmem:$0x8000] =	vst v63  }
0x18: {  	_ =	swait.ge [sflag:s6], $0x2000  }
0x19: {  	s30 =	sshrl.u32 s13, $0x3;
	[sflag:s6] =	ssyncset.done $0x0  }
0x1a: {  	s31 =	sand.u32 $0x7, s13;
	s14 =	sadd.s32 s5, s30;
	[sflag:s6] =	ssyncadd.s32 $0xFFFFE000  }
0x1b: {  	[hbm4b:s14+s31] =	stream.linear.scatter [tilespmem:s15], [sflag:$0x3], $0x2000, $0x38;
	[tilespmem:$0x8000] =	vst v63  }
.LBB2_5:
0x1c: {  	s15 =	sadd.s32 $0x40000, s11  }
0x1d: {  	p2 =	sgt.s32 s15, $0x7FFFF  }
0x1e: {  	s15 =	smov.u32 @p2 s2;
	p2 =	sne.s32 s12, s9  }
.Ltmp1:
0x1f: {  	p1 =	slt.u32 s12, $0x2;
	(pc) =	sbr.rel @!p2 .LBB2_6-.Ltmp1, $4  }
0x20: {  	s14 =	simm.s32 @!p1 $0x3  }
0x21: {  	s16 =	sadd.s32 $0x1, s12;
	_ =	swait.ge @!p1 [sflag:s14], $0x2000  }
0x22: {  	s13 =	smov.u32 s11;
	p0 =	por !p0, !p0;
	[sflag:s14] =	ssyncset.done @!p1 $0x0  }
0x23: {  	s12 =	smov.u32 s16;
	s11 =	smov.u32 s15;
	[sflag:s14] =	ssyncadd.s32 @!p1 $0xFFFFE000  }
.LBB2_1:
0x24: {  	p1 =	sge.u32 s12, s8  }
0x25: {  	s14 =	sxor.u32 @!p1 $0xFFFFFFFF, s12  }
0x26: {  	s31 =	sadd.s32 $0xFFFFFFFF, s12;
	s15 =	sshrl.u32 @!p1 s11, $0x3;
	s14 =	sshll.u32 @!p1 s14, $0xD  }
0x27: {  	s16 =	sand.u32 @!p1 $0x7, s11;
	s15 =	sadd.s32 @!p1 s4, s15;
	s14 =	sand.u32 @!p1 $0x2000, s14  }
0x28: {  	[tilespmem:s14], [sflag:$0x2] =	stream.linear.gather @!p1 [hbm4b:s15+s16], $0x2000, $0x38;
	[tilespmem:$0x8000] =	vst v63  }
0x29: {  	p1 =	sge.u32 s31, s8  }
.Ltmp2:
0x2a: {  	_ = 	snop;
	(pc) =	sbr.rel @p1 .LBB2_5-.Ltmp2, $1  }
0x2b: {  	_ =	sdelay $0x3  }
0x2c: {  	s14 =	simm.s32 $0x1  }
0x2d: {  	_ =	swait.ge [sflag:s7], $0x2000;
	s14 =	simm.s32 @!p0 $0x0  }
0x2e: {  	[sflag:s7] =	ssyncset.done $0x0;
	s14 =	sshll.u32 s14, $0xD  }
0x2f: {  	[sflag:s7] =	ssyncadd.s32 $0xFFFFE000;
	(ifvalue) =	ssetifvalue $0x7FFFFFFF;
	v1 =	vld.msk [tilespmem:s14+$0x0 ss:$0x1], $0xffff;
	_ =	sdelay $0x4  }
0x30: {  	v2 =	vshrl.u32 v1, $0xA;
	v3 =	vshrl.u32 v1, $0x8  }
0x31: {  	v4 =	vand.u32 $0x1, v1;
	vm1 =	veq.s32 v1, $0x80000000;
	v1 =	vshrl.u32 v1, $0x1  }
0x32: {  	s15 =	sadd.s32 $0x10, s14;
	v3 =	vand.u32 $0x3, v3;
	v1 =	vand.u32 $0x7F, v1;
	v2 =	vand.u32 $0xFFFF, v2  }
0x33: {  	v5 =	vld.msk [tilespmem:s15+$0x0 ss:$0x1], $0xffff;
	vm2 =	veq.s32 v4, $0x1;
	v3 =	vsel vm1, $0xFFFFFFFF, v3;
	v1 =	vmul.u32 $0x24000, v1  }
0x34: {  	v2 =	vsel vm1, $0xFFFFFFFF, v2;
	v4 =	vsel vm2, $0x1200000, v0;
	v6 =	vshrl.u32 v3, $0x2  }
0x35: {  	v7 =	vand.u32 $0x7F, v2;
	v2 =	vshll.u32 v2, $0x2;
	v6 =	vmul.u32 $0x24000, v6  }
0x36: {  	v3 =	vshll.u32 v3, $0x7;
	v1 =	vadd.s32 v4, v1;
	v2 =	vand.u32 $0xFFFFFE00, v2  }
0x37: {  	v3 =	vand.u32 $0x180, v3;
	v1 =	vsel vm1, $0xFEDDC000, v1;
	v4 =	vor.u32 v7, v6  }
0x38: {  	vm1 =	veq.s32 v5, $0x80000000;
	v6 =	vand.u32 $0x1, v5;
	v1 =	vadd.s32 v1, v4  }
0x39: {  	v4 =	vshrl.u32 v5, $0xA;
	v1 =	vadd.s32 v2, v1;
	v2 =	vshrl.u32 v5, $0x8  }
0x3a: {  	v1 =	vor.u32 v3, v1;
	v3 =	vshrl.u32 v5, $0x1;
	v2 =	vand.u32 $0x3, v2  }
0x3b: {  	s17 =	sadd.s32 $0x10, s15;
	vm2 =	veq.s32 v6, $0x1;
	v3 =	vand.u32 $0x7F, v3;
	v2 =	vsel vm1, $0xFFFFFFFF, v2  }
0x3c: {  	v4 =	vand.u32 $0xFFFF, v4;
	v5 =	vld.msk [tilespmem:s17+$0x0 ss:$0x1], $0xffff;
	v7 =	vshrl.u32 v2, $0x2;
	v3 =	vmul.u32 $0x24000, v3  }
0x3d: {  	v6 =	vsel vm2, $0x1200000, v0;
	v4 =	vsel vm1, $0xFFFFFFFF, v4;
	v7 =	vmul.u32 $0x24000, v7  }
0x3e: {  	v8 =	vand.u32 $0x7F, v4;
	v3 =	vadd.s32 v6, v3  }
0x3f: {  	v4 =	vshll.u32 v4, $0x2;
	v3 =	vsel vm1, $0xFEDDC000, v3;
	v6 =	vor.u32 v8, v7  }
0x40: {  	s31 =	sshll.u32 s12, $0xD;
	s14 =	sor.u32 $0x4000, s14;
	(ifvalue) =	ssetifvalue $0x7FFFFFFF;
	v4 =	vand.u32 $0xFFFFFE00, v4;
	v7 =	vshll.u32 v2, $0x7;
	v3 =	vadd.s32 v3, v6  }
0x41: {  	[tilespmem:s14], [sflag:$0x1] =	stream.indirect_vreg.gather [hbm4b:s3+s10], $0x1, v1, vm0, $0x4038;
	v2 =	vshrl.u32 v5, $0xA;
	v1 =	vand.u32 $0x180, v7;
	v4 =	vadd.s32 v4, v3;
	[tilespmem:$0x8000] =	vst v63  }
0x42: {  	s15 =	sand.u32 $0x2000, s31;
	vm1 =	veq.s32 v5, $0x80000000;
	v6 =	vshrl.u32 v5, $0x8;
	v1 =	vor.u32 v1, v4  }
0x43: {  	s16 =	simm.s32 $0x20;
	s15 =	sor.u32 $0x4000, s15;
	s17 =	sadd.s32 $0x10, s17;
	v3 =	vand.u32 $0x1, v5;
	v4 =	vshrl.u32 v5, $0x1;
	v5 =	vand.u32 $0x3, v6  }
.LBB2_3:
0x44: {  	v6 =	vld.msk [tilespmem:s17+$0x0 ss:$0x1], $0xffff;
	v4 =	vand.u32 $0x7F, v4;
	v5 =	vsel vm1, $0xFFFFFFFF, v5;
	v2 =	vand.u32 $0xFFFF, v2  }
0x45: {  	s16 =	sadd.s32 $0x10, s16;
	vm2 =	veq.s32 v3, $0x1;
	v7 =	vshrl.u32 v5, $0x2;
	v3 =	vmul.u32 $0x24000, v4  }
0x46: {  	s14 =	sadd.s32 $0x10, s14;
	p1 =	slt.u32 s16, $0x1FF0;
	v2 =	vsel vm1, $0xFFFFFFFF, v2;
	v4 =	vsel vm2, $0x1200000, v0;
	v7 =	vmul.u32 $0x24000, v7;
	(ifvalue) =	ssetifvalue $0x7FFFFFFF  }
0x47: {  	v8 =	vand.u32 $0x7F, v2;
	v3 =	vadd.s32 v4, v3;
	[tilespmem:s14], [sflag:$0x1] =	stream.indirect_vreg.gather [hbm4b:s3+s10], $0x1, v1, vm0, $0x4038;
	[tilespmem:$0x8000] =	vst v63  }
.Ltmp3:
0x48: {  	v2 =	vshll.u32 v2, $0x2;
	v1 =	vsel vm1, $0xFEDDC000, v3;
	v3 =	vor.u32 v8, v7;
	(pc) =	sbr.rel @p1 .LBB2_3-.Ltmp3, $4  }
0x49: {  	v5 =	vshll.u32 v5, $0x7;
	v4 =	vand.u32 $0xFFFFFE00, v2;
	v1 =	vadd.s32 v1, v3  }
0x4a: {  	v5 =	vand.u32 $0x180, v5;
	v2 =	vshrl.u32 v6, $0xA;
	v1 =	vadd.s32 v4, v1  }
0x4b: {  	v7 =	vshrl.u32 v6, $0x8;
	v3 =	vand.u32 $0x1, v6;
	v1 =	vor.u32 v5, v1  }
0x4c: {  	s17 =	sadd.s32 $0x10, s17;
	vm1 =	veq.s32 v6, $0x80000000;
	v4 =	vshrl.u32 v6, $0x1;
	v5 =	vand.u32 $0x3, v7  }
.Ltmp4:
0x4d: {  	_ = 	snop;
	(pc) =	sbr.rel .LBB2_4-.Ltmp4, $1  }
0x4e: {  	_ =	sdelay $0x3  }
.LBB2_6:
0x4f: {  	_ =	sfence.sel $0x180000  }
0x50: {  	s2 =	simm.s32 $0x2;
	[bflag:$0x0] =	sbarrier.arrive $0xFFFF  }
0x51: {  	s30 =	simm.s32 $0x3;
	[sflag:s2] =	ssyncpa.u1 $0x1  }
0x52: {  	s31 =	simm.s32 $0x1;
	[sflag:s30] =	ssyncpa.u1 $0x1  }
0x53: {  	[sflag:s31] =	ssyncpa.u1 $0x1  }
0x54: {  	p0 =	sne.s32 s1, $0x0;
	_ =	strace $0x9000004A  }
0x55: {  	s0 =	sadd.s32 @!p0 $0x100000, s0;
	[bflag:$0x2] =	sbarrier.arrive $0xFFFF  }
0x56: {  	[sflag:s0] =	ssyncadd.tile.s32 @!p0 $0x1;
	_ =	shalt  }
.Lfunc_end2:
_tile_overlayer_lowered:
.L_overlay_start_2:
0x57: {  	(tag) =	ssettag $0x2  }
0x58: {  	s0 =	rddreg [dreg:$0x0];
	s2 =	stileid.u32  }
0x59: {  	s1 =	rddreg [dreg:$0x1];
	p0 =	sne.s32 s2, $0x0  }
0x5a: {  	s3 =	rddreg [dreg:$0x2];
	[bflag:$0x3] =	sbarrier.arrive $0xFFFF;
	s2 =	simm.s32 @!p0 $0x1C01  }
0x5b: {  	[timem:s3], [sflag:s2] =	dma.local @!p0 [hbm:s0], s1  }
0x5c: {  	s0 =	simm.s32 @!p0 $0x1  }
0x5d: {  	_ =	swait.ge @!p0 [sflag:s0], s1  }
0x5e: {  	s1 =	ssub.s32 @!p0 $0x0, s1;
	[sflag:s0] =	ssyncset.done @!p0 $0x0  }
0x5f: {  	[sflag:s0] =	ssyncadd.s32 @!p0 s1  }
0x60: {  	[bflag:$0x3] =	sbarrier.arrive $0xFFFF  }
0x61: {  	_ =	shalt  }

// kernel: gather_offload_async_start.3
scs
__scs_entry_jumppad:
0x0: {  	(pc) =	sbr.rel $0x88, $3  }
0x1: {  	(tag) =	ssettag $0x0;
	lr =	simm.s32 $0x1  }
0x2: {  	[smem:$0x3F95] =	sst lr;
	_ =	strace $0xD0000000  }
0x3: {  	_ = 	snop  }
0x4: {  	_ = 	snop  }
0x5: {  	_ = 	snop  }
0x6: {  	_ = 	snop  }
0x7: {  	_ = 	snop  }
__scs_overlays_trampoline_lowered:
0x8: {  	[smem:$0x3FA4] =	sst s0  }
0x9: {  	[smem:$0x3FA5] =	sst s1  }
0xa: {  	[smem:$0x3FA6] =	sst s2  }
0xb: {  	[smem:$0x3FA7] =	sst s3  }
0xc: {  	[smem:$0x3FA8] =	sst s4  }
0xd: {  	[smem:$0x3FA9] =	sst s5  }
0xe: {  	[smem:$0x3FAA] =	sst s6  }
0xf: {  	[smem:$0x3FAB] =	sst s7  }
0x10: {  	[smem:$0x3FAC] =	sst s8  }
0x11: {  	[smem:$0x3FAD] =	sst s9;
	s0 =	simm.s32 @!p0 $0x0  }
0x12: {  	s1 =	sld [smem:$0x3F93];
	s0 =	simm.s32 @p0 $0x1  }
0x13: {  	[smem:$0x3FAE] =	sst s0;
	s0 =	simm.s32 @!p1 $0x0  }
0x14: {  	s2 =	sld [smem:$0x3F92];
	s0 =	simm.s32 @p1 $0x1  }
0x15: {  	[smem:$0x3FAF] =	sst s0;
	s0 =	simm.s32 @!p2 $0x0  }
0x16: {  	s3 =	sld [smem:$0x3FDB];
	s0 =	simm.s32 @p2 $0x1  }
0x17: {  	s4 =	simm.s32 $0x1BF5;
	[smem:$0x3FB1] =	sst s0  }
0x18: {  	s0 =	sld [smem:$0x3F94];
	_ =	swait.ge [sflag:s4], $0x0  }
0x19: {  	s7 =	sld [smem:$0x3F95]  }
0x1a: {  	s8 =	sadd.s32 $0xFFFFE003, lr  }
0x1b: {  	s9 =	sadd.s32 $0xFFFFFEF7, lr;
	s5 =	simm.s32 $0xFFFFFFFF;
	p2 =	slt.u32 s8, $0xFFFFF086  }
0x1c: {  	p1 =	slt.u32 s9, $0xF7A;
	s5 =	simm.s32 @!p2 $0x0  }
0x1d: {  	s5 =	simm.s32 @p1 $0x1;
	p0 =	seq.s32 s7, s2  }
0x1e: {  	s7 =	smul.u32 @!p0 $0xF7A, s2;
	p2 =	seq.s32 @!p0 s5, $0x0  }
0x1f: {  	s9 =	smul.u32 $0xF7A, s1;
	s8 =	simm.s32 @!p0 $0x1BF5;
	p2 =	por !p2, p0  }
0x20: {  	[sflag:s8] =	ssyncset.s32 @!p0 $0xFFFFF086;
	s6 =	sadd.s32 @!p0 s3, s7;
	s7 =	simm.s32 @!p0 $0x108  }
0x21: {  	s3 =	sadd.s32 s3, s9;
	s6 =	sadd.s32 @!p0 $0x88, s6;
	s7 =	simm.s32 @p2 $0x1082  }
0x22: {  	[simem:s7], [sflag:s8] =	dma.local @!p0 [hbm:s6], $0xF7A  }
0x23: {  	s9 =	sor.u32 $0xD0000000, s2;
	s6 =	simm.s32 $0x108;
	_ =	swait.ge @!p0 [sflag:s8], $0x0  }
0x24: {  	s3 =	sadd.s32 $0x88, s3;
	s6 =	simm.s32 @!p1 $0x1082;
	[sflag:s4] =	ssyncset.s32 $0xFFFFF086  }
0x25: {  	[simem:s6], [sflag:s4] =	dma.local [hbm:s3], $0xF7A  }
0x26: {  	[smem:$0x3F95] =	sst s1;
	(tag) =	ssettag s2;
	_ =	strace s9  }
0x27: {  	s1 =	sld [smem:$0x3FA5]  }
0x28: {  	s2 =	sld [smem:$0x3FA6]  }
0x29: {  	s4 =	sld [smem:$0x3FA8]  }
0x2a: {  	p0 =	seq.s32 s5, $0x0;
	s5 =	sld [smem:$0x3FA9]  }
0x2b: {  	s6 =	sld [smem:$0x3FAA]  }
0x2c: {  	s7 =	sld [smem:$0x3FAB]  }
0x2d: {  	s3 =	simm.s32 $0x108;
	s8 =	sld [smem:$0x3FAC]  }
0x2e: {  	s3 =	simm.s32 @!p0 $0x1082;
	s9 =	sld [smem:$0x3FAD]  }
0x2f: {  	lr =	sadd.s32 s0, s3;
	s0 =	sld [smem:$0x3FA4]  }
0x30: {  	s3 =	sld [smem:$0x3FA7]  }
0x31: {  	[smem:$0x3FB0] =	sst s10  }
0x32: {  	s10 =	sld [smem:$0x3FAE];
	_ =	sdelay $0x3  }
0x33: {  	p0 =	seq.s32 s10, $0x1;
	s10 =	sld [smem:$0x3FB0];
	_ =	sdelay $0x3  }
0x34: {  	[smem:$0x3FB0] =	sst s10  }
0x35: {  	s10 =	sld [smem:$0x3FAF];
	_ =	sdelay $0x3  }
0x36: {  	p1 =	seq.s32 s10, $0x1;
	s10 =	sld [smem:$0x3FB0];
	_ =	sdelay $0x3  }
0x37: {  	[smem:$0x3FB0] =	sst s10  }
0x38: {  	s10 =	sld [smem:$0x3FB1]  }
0x39: {  	_ = 	snop;
	(pc) =	sbr.ind lr, $3  }
0x3a: {  	_ = 	snop  }
0x3b: {  	_ = 	snop  }
0x3c: {  	p2 =	seq.s32 s10, $0x1;
	s10 =	sld [smem:$0x3FB0]  }
0x3d: {  	_ =	shalt  }
0x3e: {  	_ =	shalt  }
0x3f: {  	_ =	shalt  }
0x40: {  	_ =	shalt  }
0x41: {  	_ =	shalt  }
0x42: {  	_ =	shalt  }
0x43: {  	_ =	shalt  }
0x44: {  	_ =	shalt  }
0x45: {  	_ =	shalt  }
0x46: {  	_ =	shalt  }
0x47: {  	_ =	shalt  }
0x48: {  	_ =	shalt  }
0x49: {  	_ =	shalt  }
0x4a: {  	_ =	shalt  }
0x4b: {  	_ =	shalt  }
0x4c: {  	_ =	shalt  }
0x4d: {  	_ =	shalt  }
0x4e: {  	_ =	shalt  }
0x4f: {  	_ =	shalt  }
0x50: {  	_ =	shalt  }
0x51: {  	_ =	shalt  }
0x52: {  	_ =	shalt  }
0x53: {  	_ =	shalt  }
0x54: {  	_ =	shalt  }
0x55: {  	_ =	shalt  }
0x56: {  	_ =	shalt  }
0x57: {  	_ =	shalt  }
0x58: {  	_ =	shalt  }
0x59: {  	_ =	shalt  }
0x5a: {  	_ =	shalt  }
0x5b: {  	_ =	shalt  }
0x5c: {  	_ =	shalt  }
0x5d: {  	_ =	shalt  }
0x5e: {  	_ =	shalt  }
0x5f: {  	_ =	shalt  }
0x60: {  	_ =	shalt  }
0x61: {  	_ =	shalt  }
0x62: {  	_ =	shalt  }
0x63: {  	_ =	shalt  }
0x64: {  	_ =	shalt  }
0x65: {  	_ =	shalt  }
0x66: {  	_ =	shalt  }
0x67: {  	_ =	shalt  }
0x68: {  	_ =	shalt  }
0x69: {  	_ =	shalt  }
0x6a: {  	_ =	shalt  }
0x6b: {  	_ =	shalt  }
0x6c: {  	_ =	shalt  }
0x6d: {  	_ =	shalt  }
0x6e: {  	_ =	shalt  }
0x6f: {  	_ =	shalt  }
0x70: {  	_ =	shalt  }
0x71: {  	_ =	shalt  }
0x72: {  	_ =	shalt  }
0x73: {  	_ =	shalt  }
0x74: {  	_ =	shalt  }
0x75: {  	_ =	shalt  }
0x76: {  	_ =	shalt  }
0x77: {  	_ =	shalt  }
0x78: {  	_ =	shalt  }
0x79: {  	_ =	shalt  }
0x7a: {  	_ =	shalt  }
0x7b: {  	_ =	shalt  }
0x7c: {  	_ =	shalt  }
0x7d: {  	_ =	shalt  }
0x7e: {  	_ =	shalt  }
0x7f: {  	_ =	shalt  }
0x80: {  	_ =	shalt  }
0x81: {  	_ =	shalt  }
0x82: {  	_ =	shalt  }
0x83: {  	_ =	shalt  }
0x84: {  	_ =	shalt  }
0x85: {  	_ =	shalt  }
0x86: {  	_ =	shalt  }
0x87: {  	_ =	shalt  }
.Lfunc_end0:
.L_simem_size_0:
called_computation.3_lowered:
.L_overlay_start_0:
0x88: {  	s2 =	sld [smem:$0x3FD9]  }
0x89: {  	s3 =	sld [smem:$0x3FFE];
	_ =	sdelay $0x1  }
0x8a: {  	s1 =	srdreg.scid  }
0x8b: {  	s0 =	sand.u32 $0x1, s1  }
0x8c: {  	s17 =	sshll.u32 s0, $0xA;
	s2 =	sadd.s32 s3, s2  }
0x8d: {  	s2 =	sadd.s32 s2, s17  }
0x8e: {  	[smem:$0x3FBC] =	sst s2  }
0x8f: {  	_ = 	snop  }
0x90: {  	s2 =	sld [smem:$0x3FBE];
	(tm) =	ssettm $0x1  }
0x91: {  	s18 =	sld [smem:$0x3FFB];
	_ =	sdelay $0x3  }
0x92: {  	_ =	strace s18  }
0x93: {  	s3 =	sld [smem:$0x3FFC];
	_ =	sdelay $0x3  }
0x94: {  	_ =	strace s3  }
0x95: {  	s3 =	sld [smem:$0x3FFD];
	_ =	sdelay $0x3  }
0x96: {  	_ =	strace s3  }
0x97: {  	_ =	strace $0x8FFFFFFF  }
0x98: {  	s19 =	sld [smem:$0x3FDB];
	_ =	sdelay $0x1  }
0x99: {  	s4 =	simm.s32 $_scs_section_size  }
0x9a: {  	s5 =	simm.s32 $_size__tile_overlayer_lowered;
	s6 =	simm.s32 $_tile_overlayer_lowered  }
0x9b: {  	s22 =	simm.s32 $0x1BFF;
	s21 =	sshll.u32 s6, $0x1;
	s3 =	sadd.s32 s4, s19  }
0x9c: {  	s7 =	simm.s32 $0x0;
	s20 =	sshll.u32 s5, $0x1;
	s5 =	sadd.s32 s21, s3  }
0x9d: {  	[timem:s7], [sflag:s22] =	dma.local [hbm:s5], s20  }
0x9e: {  	_ =	swait.ge [sflag:s22], s20  }
0x9f: {  	s4 =	ssub.s32 $0x0, s20;
	[sflag:s22] =	ssyncset.done $0x0  }
0xa0: {  	[sflag:s22] =	ssyncadd.s32 s4;
	_ =	sdelay $0x1  }
0xa1: {  	s23 =	simm.s32 $0x1B8B  }
0xa2: {  	_ =	swait.ge [sflag:s23], $0x1  }
0xa3: {  	[sflag:s23] =	ssyncset.done $0x0  }
0xa4: {  	s25 =	simm.s32 $0x1B8E;
	s24 =	sld [smem:$0x3FFE];
	[sflag:s23] =	ssyncadd.s32 $0xFFFFFFFF  }
0xa5: {  	s26 =	simm.s32 $execute0_lowered;
	[smem:$0x3FD2] =	sst s25  }
0xa6: {  	s5 =	sshll.u32 s26, $0x1;
	_ =	strace $0x8000004C;
	[dreg:$0x1] =	wrdreg $0xFFFFFFFF  }
0xa7: {  	s28 =	simm.s32 $_size_execute0_lowered;
	s3 =	sadd.s32 s3, s5;
	[dreg:$0x0] =	wrdreg $0x0  }
0xa8: {  	s5 =	sshll.u32 s28, $0x1;
	[dreg:$0x2] =	wrdreg s3  }
0xa9: {  	[dreg:$0x3] =	wrdreg s5  }
0xaa: {  	[dreg:$0x4] =	wrdreg $0xC0  }
0xab: {  	_ =	task [dreg:s7], $0x5FFFF  }
0xac: {  	[dreg:$0x1] =	wrdreg $0xFFFFFFFF  }
0xad: {  	[dreg:$0x0] =	wrdreg $0x60  }
0xae: {  	[dreg:$0x2] =	wrdreg s2  }
0xaf: {  	[dreg:$0x3] =	wrdreg s24  }
0xb0: {  	[dreg:$0x4] =	wrdreg $0xA  }
0xb1: {  	_ =	task.clear_ibuf [dreg:s7], $0x5FFFF;
	_ =	strace $0x9000004C  }
0xb2: {  	s29 =	simm.s32 $0xA;
	_ =	strace $0x8000004E  }
0xb3: {  	_ =	swait.ge [sflag:s29], $0x1  }
0xb4: {  	[sflag:s29] =	ssyncadd.s32 $0xFFFFFFFF  }
0xb5: {  	_ =	strace $0x9000004E  }
0xb6: {  	_ =	sfence  }
0xb7: {  	s30 =	sld [smem:$0x0];
	_ =	sdelay $0x2  }
0xb8: {  	s31 =	sshll.u32 s1, $0xD;
	s1 =	sshrl.u32 s1, $0x2  }
0xb9: {  	s3 =	sand.u32 $0x4000, s31;
	s1 =	sadd.s32 s1, s30  }
0xba: {  	s0 =	sor.u32 s3, s0;
	s1 =	sshll.u32 s1, $0x11  }
0xbb: {  	s0 =	sor.u32 s1, s0  }
0xbc: {  	s0 =	sadd.s32 $0x8F2B, s0  }
0xbd: {  	[sflag:s0] =	ssyncadd.remote.s32 $0x1  }
0xbe: {  	_ =	sfence.sel $0xFFFF  }
0xbf: {  	[dreg:$0x0] =	wrdreg $0xFFFFFFFF;
	(pc) =	sbr.abs _section_cstart, $3  }
0xc0: {  	[dreg:$0x1] =	wrdreg $0xFFFFFFFF  }
0xc1: {  	_ =	task.clear_ibuf [dreg:s7], $0x2FFFF;
	_ =	strace $0x9FFFFFFF  }
0xc2: {  	(tm) =	ssettm $0x7FFFFFFF  }
0xc3: {  	_ =	shalt  }
tec
execute0_lowered:
.L_overlay_start_1:
0x0: {  	(tag) =	ssettag $0x1  }
0x1: {  	s2 =	rddreg [dreg:$0x0];
	s0 =	srdreg.scid  }
0x2: {  	s5 =	rddreg [dreg:$0x1];
	s1 =	stileid.u32;
	s6 =	simm.s32 $0x1  }
0x3: {  	s9 =	simm.s32 $0x1;
	s10 =	simm.s32 $0x3;
	s3 =	sshll.u32 s0, $0xB  }
0x4: {  	s13 =	simm.s32 $0x0;
	s4 =	sshll.u32 s1, $0xC;
	s3 =	sand.u32 $0x800, s3  }
0x5: {  	s0 =	rddreg [dreg:$0x2];
	_ =	strace $0x8000004D;
	s3 =	sor.u32 s4, s3  }
0x6: {  	s12 =	simm.s32 $0x0;
	[sflag:s6] =	ssyncpa.u1 $0x0;
	s8 =	ssub.s32 $0x20000, s3  }
.Ltmp0:
0x7: {  	s4 =	sadd.s32 $0x923200, s5;
	s7 =	sand.u32 $0xF800, s8;
	(pc) =	sbr.rel .LBB2_1-.Ltmp0, $4  }
0x8: {  	s5 =	sadd.s32 $0xAA00, s5;
	s11 =	smov.u32 s3;
	p0 =	sne.s32 s7, $0x0  }
0x9: {  	s8 =	sshrl.u32 s8, $0x10;
	s7 =	simm.s32 $0x2;
	s9 =	simm.s32 @!p0 $0x0  }
0xa: {  	[sflag:s7] =	ssyncpa.u1 $0x0;
	p0 =	por $0x0, $0x0;
	s8 =	sadd.s32 s9, s8  }
0xb: {  	vm0 =	vmmov $0xffff;
	v0 =	vimm.s32 $0x0;
	[sflag:s10] =	ssyncpa.u1 $0x0;
	s10 =	simm.s32 $0x0;
	s9 =	sadd.s32 $0x1, s8  }
.LBB2_4:
0xc: {  	vm1 =	veq.s32 v1, $0x80000000;
	vm2 =	veq.s32 v4, $0x1;
	v1 =	vand.u32 $0x7FFF80, v3  }
0xd: {  	v3 =	vand.u32 $0x7F, v3;
	v4 =	vsel vm2, $0x480000, v0;
	v1 =	vsel vm1, $0xFFFFFF80, v1  }
0xe: {  	v3 =	vsel vm1, $0xFFFFFFFF, v3;
	v4 =	vsel vm1, $0xFFB80000, v4;
	v5 =	vand.u32 $0xFFFFFC00, v1  }
0xf: {  	v63 =	vand.u32 $0xFFFFFC00, v3;
	v4 =	vadd.s32 v4, v5  }
0x10: {  	v1 =	vand.u32 $0x380, v1;
	v4 =	vadd.s32 v63, v4  }
0x11: {  	v3 =	vand.u32 $0x7F, v3;
	v1 =	vor.u32 v1, v4  }
0x12: {  	v1 =	vor.u32 v3, v1;
	_ =	sdelay $0x1  }
0x13: {  	(ifvalue) =	ssetifvalue $0x7FFFFFFF;
	s15 =	sadd.s32 $0x10, s15  }
0x14: {  	[tilespmem:s15], [sflag:$0x1] =	stream.indirect_vreg.gather [hbm4b:s2+s10], $0x1, v2, vm0, $0x4038;
	[tilespmem:$0x2000] =	vst v63  }
0x15: {  	(ifvalue) =	ssetifvalue $0x7FFFFFFF;
	s15 =	sadd.s32 $0x10, s15  }
0x16: {  	[tilespmem:s15], [sflag:$0x1] =	stream.indirect_vreg.gather [hbm4b:s2+s10], $0x1, v1, vm0, $0x4038;
	[tilespmem:$0x2000] =	vst v63  }
0x17: {  	_ =	swait.ge [sflag:s6], $0x800  }
0x18: {  	s30 =	sshrl.u32 s13, $0x3;
	[sflag:s6] =	ssyncset.done $0x0  }
0x19: {  	s31 =	sand.u32 $0x7, s13;
	s15 =	sadd.s32 s5, s30;
	[sflag:s6] =	ssyncadd.s32 $0xFFFFF800  }
0x1a: {  	[hbm4b:s15+s31] =	stream.linear.scatter [tilespmem:s14], [sflag:$0x3], $0x800, $0x38;
	[tilespmem:$0x2000] =	vst v63  }
.LBB2_5:
0x1b: {  	s15 =	sadd.s32 $0x10000, s11  }
0x1c: {  	p2 =	sgt.s32 s15, $0x1FFFF  }
0x1d: {  	s15 =	smov.u32 @p2 s3;
	p2 =	sne.s32 s12, s9  }
.Ltmp1:
0x1e: {  	p1 =	slt.u32 s12, $0x2;
	(pc) =	sbr.rel @!p2 .LBB2_6-.Ltmp1, $4  }
0x1f: {  	s14 =	simm.s32 @!p1 $0x3  }
0x20: {  	s16 =	sadd.s32 $0x1, s12;
	_ =	swait.ge @!p1 [sflag:s14], $0x800  }
0x21: {  	s13 =	smov.u32 s11;
	p0 =	por !p0, !p0;
	[sflag:s14] =	ssyncset.done @!p1 $0x0  }
0x22: {  	s12 =	smov.u32 s16;
	s11 =	smov.u32 s15;
	[sflag:s14] =	ssyncadd.s32 @!p1 $0xFFFFF800  }
.LBB2_1:
0x23: {  	p1 =	sge.u32 s12, s8  }
0x24: {  	s14 =	sxor.u32 @!p1 $0xFFFFFFFF, s12  }
0x25: {  	s31 =	sadd.s32 $0xFFFFFFFF, s12;
	s15 =	sshrl.u32 @!p1 s11, $0x3;
	s14 =	sshll.u32 @!p1 s14, $0xB  }
0x26: {  	s16 =	sand.u32 @!p1 $0x7, s11;
	s15 =	sadd.s32 @!p1 s4, s15;
	s14 =	sand.u32 @!p1 $0x800, s14  }
0x27: {  	[tilespmem:s14], [sflag:$0x2] =	stream.linear.gather @!p1 [hbm4b:s15+s16], $0x800, $0x38;
	[tilespmem:$0x2000] =	vst v63  }
0x28: {  	p1 =	sge.u32 s31, s8  }
.Ltmp2:
0x29: {  	_ = 	snop;
	(pc) =	sbr.rel @p1 .LBB2_5-.Ltmp2, $1  }
0x2a: {  	_ =	sdelay $0x3  }
0x2b: {  	s14 =	simm.s32 $0x1  }
0x2c: {  	_ =	swait.ge [sflag:s7], $0x800;
	s14 =	simm.s32 @!p0 $0x0  }
0x2d: {  	[sflag:s7] =	ssyncset.done $0x0;
	s14 =	sshll.u32 s14, $0xB  }
0x2e: {  	[sflag:s7] =	ssyncadd.s32 $0xFFFFF800;
	(ifvalue) =	ssetifvalue $0x7FFFFFFF;
	v1 =	vld.msk [tilespmem:s14+$0x0 ss:$0x1], $0xffff;
	_ =	sdelay $0x4  }
0x2f: {  	v2 =	vshrl.u32 v1, $0x1;
	v3 =	vand.u32 $0x1, v1  }
0x30: {  	s15 =	sadd.s32 $0x10, s14;
	vm1 =	veq.s32 v1, $0x80000000;
	vm2 =	veq.s32 v3, $0x1;
	v1 =	vand.u32 $0x7FFF80, v2  }
0x31: {  	v3 =	vld.msk [tilespmem:s15+$0x0 ss:$0x1], $0xffff;
	v2 =	vand.u32 $0x7F, v2;
	v4 =	vsel vm2, $0x480000, v0;
	v1 =	vsel vm1, $0xFFFFFF80, v1  }
0x32: {  	v2 =	vsel vm1, $0xFFFFFFFF, v2;
	v4 =	vsel vm1, $0xFFB80000, v4;
	v5 =	vand.u32 $0xFFFFFC00, v1  }
0x33: {  	v4 =	vadd.s32 v4, v5;
	v5 =	vand.u32 $0xFFFFFC00, v2  }
0x34: {  	v1 =	vand.u32 $0x380, v1;
	v4 =	vadd.s32 v5, v4  }
0x35: {  	v2 =	vand.u32 $0x7F, v2;
	v1 =	vor.u32 v1, v4  }
0x36: {  	v4 =	vshrl.u32 v3, $0x1;
	v5 =	vand.u32 $0x1, v3;
	vm1 =	veq.s32 v3, $0x80000000  }
0x37: {  	s17 =	sadd.s32 $0x10, s15;
	v2 =	vor.u32 v2, v1;
	vm2 =	veq.s32 v5, $0x1;
	v3 =	vand.u32 $0x7FFF80, v4  }
0x38: {  	v1 =	vld.msk [tilespmem:s17+$0x0 ss:$0x1], $0xffff;
	v4 =	vand.u32 $0x7F, v4;
	v5 =	vsel vm2, $0x480000, v0;
	v3 =	vsel vm1, $0xFFFFFF80, v3  }
0x39: {  	v4 =	vsel vm1, $0xFFFFFFFF, v4;
	v5 =	vsel vm1, $0xFFB80000, v5;
	v6 =	vand.u32 $0xFFFFFC00, v3  }
0x3a: {  	s31 =	sshll.u32 s12, $0xB;
	v5 =	vadd.s32 v5, v6;
	v6 =	vand.u32 $0xFFFFFC00, v4  }
0x3b: {  	s15 =	sor.u32 $0x1000, s14;
	s14 =	sand.u32 $0x800, s31;
	(ifvalue) =	ssetifvalue $0x7FFFFFFF;
	v3 =	vand.u32 $0x380, v3;
	v5 =	vadd.s32 v6, v5  }
0x3c: {  	[tilespmem:s15], [sflag:$0x1] =	stream.indirect_vreg.gather [hbm4b:s2+s10], $0x1, v2, vm0, $0x4038;
	v2 =	vand.u32 $0x7F, v4;
	v5 =	vor.u32 v3, v5;
	[tilespmem:$0x2000] =	vst v63  }
0x3d: {  	s16 =	simm.s32 $0x20;
	s14 =	sor.u32 $0x1000, s14;
	s17 =	sadd.s32 $0x10, s17;
	v3 =	vshrl.u32 v1, $0x1;
	v4 =	vand.u32 $0x1, v1;
	v2 =	vor.u32 v2, v5  }
.LBB2_3:
0x3e: {  	s16 =	sadd.s32 $0x10, s16;
	vm1 =	veq.s32 v1, $0x80000000;
	v1 =	vld.msk [tilespmem:s17+$0x0 ss:$0x1], $0xffff;
	vm2 =	veq.s32 v4, $0x1;
	v4 =	vand.u32 $0x7FFF80, v3  }
0x3f: {  	v3 =	vand.u32 $0x7F, v3;
	p1 =	slt.u32 s16, $0x7F0;
	v5 =	vsel vm2, $0x480000, v0;
	v4 =	vsel vm1, $0xFFFFFF80, v4  }
.Ltmp3:
0x40: {  	v3 =	vsel vm1, $0xFFFFFFFF, v3;
	v5 =	vsel vm1, $0xFFB80000, v5;
	v6 =	vand.u32 $0xFFFFFC00, v4;
	(pc) =	sbr.rel @p1 .LBB2_3-.Ltmp3, $4  }
0x41: {  	s15 =	sadd.s32 $0x10, s15;
	v5 =	vadd.s32 v5, v6;
	v6 =	vand.u32 $0xFFFFFC00, v3;
	(ifvalue) =	ssetifvalue $0x7FFFFFFF  }
0x42: {  	v4 =	vand.u32 $0x380, v4;
	v5 =	vadd.s32 v6, v5;
	[tilespmem:s15], [sflag:$0x1] =	stream.indirect_vreg.gather [hbm4b:s2+s10], $0x1, v2, vm0, $0x4038;
	[tilespmem:$0x2000] =	vst v63  }
0x43: {  	v2 =	vand.u32 $0x7F, v3;
	v5 =	vor.u32 v4, v5  }
0x44: {  	s17 =	sadd.s32 $0x10, s17;
	v3 =	vshrl.u32 v1, $0x1;
	v4 =	vand.u32 $0x1, v1;
	v2 =	vor.u32 v2, v5  }
.Ltmp4:
0x45: {  	_ = 	snop;
	(pc) =	sbr.rel .LBB2_4-.Ltmp4, $1  }
0x46: {  	_ =	sdelay $0x3  }
.LBB2_6:
0x47: {  	_ =	sfence.sel $0x180000  }
0x48: {  	s2 =	simm.s32 $0x2;
	[bflag:$0x0] =	sbarrier.arrive $0xFFFF  }
0x49: {  	s30 =	simm.s32 $0x3;
	[sflag:s2] =	ssyncpa.u1 $0x1  }
0x4a: {  	s31 =	simm.s32 $0x1;
	[sflag:s30] =	ssyncpa.u1 $0x1  }
0x4b: {  	[sflag:s31] =	ssyncpa.u1 $0x1  }
0x4c: {  	p0 =	sne.s32 s1, $0x0;
	_ =	strace $0x9000004D  }
0x4d: {  	s0 =	sadd.s32 @!p0 $0x100000, s0;
	[bflag:$0x2] =	sbarrier.arrive $0xFFFF  }
0x4e: {  	[sflag:s0] =	ssyncadd.tile.s32 @!p0 $0x1;
	_ =	shalt  }
.Lfunc_end2:
_tile_overlayer_lowered:
.L_overlay_start_2:
0x4f: {  	(tag) =	ssettag $0x2  }
0x50: {  	s0 =	rddreg [dreg:$0x0];
	s2 =	stileid.u32  }
0x51: {  	s1 =	rddreg [dreg:$0x1];
	p0 =	sne.s32 s2, $0x0  }
0x52: {  	s3 =	rddreg [dreg:$0x2];
	[bflag:$0x3] =	sbarrier.arrive $0xFFFF;
	s2 =	simm.s32 @!p0 $0x1C01  }
0x53: {  	[timem:s3], [sflag:s2] =	dma.local @!p0 [hbm:s0], s1  }
0x54: {  	s0 =	simm.s32 @!p0 $0x1  }
0x55: {  	_ =	swait.ge @!p0 [sflag:s0], s1  }
0x56: {  	s1 =	ssub.s32 @!p0 $0x0, s1;
	[sflag:s0] =	ssyncset.done @!p0 $0x0  }
0x57: {  	[sflag:s0] =	ssyncadd.s32 @!p0 s1  }
0x58: {  	[bflag:$0x3] =	sbarrier.arrive $0xFFFF  }
0x59: {  	_ =	shalt  }

// kernel: gather_offload_async_start
scs
__scs_entry_jumppad:
0x0: {  	(pc) =	sbr.rel $0x88, $3  }
0x1: {  	(tag) =	ssettag $0x0;
	lr =	simm.s32 $0x1  }
0x2: {  	[smem:$0x3F95] =	sst lr;
	_ =	strace $0xD0000000  }
0x3: {  	_ = 	snop  }
0x4: {  	_ = 	snop  }
0x5: {  	_ = 	snop  }
0x6: {  	_ = 	snop  }
0x7: {  	_ = 	snop  }
__scs_overlays_trampoline_lowered:
0x8: {  	[smem:$0x3FA4] =	sst s0  }
0x9: {  	[smem:$0x3FA5] =	sst s1  }
0xa: {  	[smem:$0x3FA6] =	sst s2  }
0xb: {  	[smem:$0x3FA7] =	sst s3  }
0xc: {  	[smem:$0x3FA8] =	sst s4  }
0xd: {  	[smem:$0x3FA9] =	sst s5  }
0xe: {  	[smem:$0x3FAA] =	sst s6  }
0xf: {  	[smem:$0x3FAB] =	sst s7  }
0x10: {  	[smem:$0x3FAC] =	sst s8  }
0x11: {  	[smem:$0x3FAD] =	sst s9;
	s0 =	simm.s32 @!p0 $0x0  }
0x12: {  	s1 =	sld [smem:$0x3F93];
	s0 =	simm.s32 @p0 $0x1  }
0x13: {  	[smem:$0x3FAE] =	sst s0;
	s0 =	simm.s32 @!p1 $0x0  }
0x14: {  	s2 =	sld [smem:$0x3F92];
	s0 =	simm.s32 @p1 $0x1  }
0x15: {  	[smem:$0x3FAF] =	sst s0;
	s0 =	simm.s32 @!p2 $0x0  }
0x16: {  	s3 =	sld [smem:$0x3FDB];
	s0 =	simm.s32 @p2 $0x1  }
0x17: {  	s4 =	simm.s32 $0x1BF5;
	[smem:$0x3FB1] =	sst s0  }
0x18: {  	s0 =	sld [smem:$0x3F94];
	_ =	swait.ge [sflag:s4], $0x0  }
0x19: {  	s7 =	sld [smem:$0x3F95]  }
0x1a: {  	s8 =	sadd.s32 $0xFFFFE003, lr  }
0x1b: {  	s9 =	sadd.s32 $0xFFFFFEF7, lr;
	s5 =	simm.s32 $0xFFFFFFFF;
	p2 =	slt.u32 s8, $0xFFFFF086  }
0x1c: {  	p1 =	slt.u32 s9, $0xF7A;
	s5 =	simm.s32 @!p2 $0x0  }
0x1d: {  	s5 =	simm.s32 @p1 $0x1;
	p0 =	seq.s32 s7, s2  }
0x1e: {  	s7 =	smul.u32 @!p0 $0xF7A, s2;
	p2 =	seq.s32 @!p0 s5, $0x0  }
0x1f: {  	s9 =	smul.u32 $0xF7A, s1;
	s8 =	simm.s32 @!p0 $0x1BF5;
	p2 =	por !p2, p0  }
0x20: {  	[sflag:s8] =	ssyncset.s32 @!p0 $0xFFFFF086;
	s6 =	sadd.s32 @!p0 s3, s7;
	s7 =	simm.s32 @!p0 $0x108  }
0x21: {  	s3 =	sadd.s32 s3, s9;
	s6 =	sadd.s32 @!p0 $0x88, s6;
	s7 =	simm.s32 @p2 $0x1082  }
0x22: {  	[simem:s7], [sflag:s8] =	dma.local @!p0 [hbm:s6], $0xF7A  }
0x23: {  	s9 =	sor.u32 $0xD0000000, s2;
	s6 =	simm.s32 $0x108;
	_ =	swait.ge @!p0 [sflag:s8], $0x0  }
0x24: {  	s3 =	sadd.s32 $0x88, s3;
	s6 =	simm.s32 @!p1 $0x1082;
	[sflag:s4] =	ssyncset.s32 $0xFFFFF086  }
0x25: {  	[simem:s6], [sflag:s4] =	dma.local [hbm:s3], $0xF7A  }
0x26: {  	[smem:$0x3F95] =	sst s1;
	(tag) =	ssettag s2;
	_ =	strace s9  }
0x27: {  	s1 =	sld [smem:$0x3FA5]  }
0x28: {  	s2 =	sld [smem:$0x3FA6]  }
0x29: {  	s4 =	sld [smem:$0x3FA8]  }
0x2a: {  	p0 =	seq.s32 s5, $0x0;
	s5 =	sld [smem:$0x3FA9]  }
0x2b: {  	s6 =	sld [smem:$0x3FAA]  }
0x2c: {  	s7 =	sld [smem:$0x3FAB]  }
0x2d: {  	s3 =	simm.s32 $0x108;
	s8 =	sld [smem:$0x3FAC]  }
0x2e: {  	s3 =	simm.s32 @!p0 $0x1082;
	s9 =	sld [smem:$0x3FAD]  }
0x2f: {  	lr =	sadd.s32 s0, s3;
	s0 =	sld [smem:$0x3FA4]  }
0x30: {  	s3 =	sld [smem:$0x3FA7]  }
0x31: {  	[smem:$0x3FB0] =	sst s10  }
0x32: {  	s10 =	sld [smem:$0x3FAE];
	_ =	sdelay $0x3  }
0x33: {  	p0 =	seq.s32 s10, $0x1;
	s10 =	sld [smem:$0x3FB0];
	_ =	sdelay $0x3  }
0x34: {  	[smem:$0x3FB0] =	sst s10  }
0x35: {  	s10 =	sld [smem:$0x3FAF];
	_ =	sdelay $0x3  }
0x36: {  	p1 =	seq.s32 s10, $0x1;
	s10 =	sld [smem:$0x3FB0];
	_ =	sdelay $0x3  }
0x37: {  	[smem:$0x3FB0] =	sst s10  }
0x38: {  	s10 =	sld [smem:$0x3FB1]  }
0x39: {  	_ = 	snop;
	(pc) =	sbr.ind lr, $3  }
0x3a: {  	_ = 	snop  }
0x3b: {  	_ = 	snop  }
0x3c: {  	p2 =	seq.s32 s10, $0x1;
	s10 =	sld [smem:$0x3FB0]  }
0x3d: {  	_ =	shalt  }
0x3e: {  	_ =	shalt  }
0x3f: {  	_ =	shalt  }
0x40: {  	_ =	shalt  }
0x41: {  	_ =	shalt  }
0x42: {  	_ =	shalt  }
0x43: {  	_ =	shalt  }
0x44: {  	_ =	shalt  }
0x45: {  	_ =	shalt  }
0x46: {  	_ =	shalt  }
0x47: {  	_ =	shalt  }
0x48: {  	_ =	shalt  }
0x49: {  	_ =	shalt  }
0x4a: {  	_ =	shalt  }
0x4b: {  	_ =	shalt  }
0x4c: {  	_ =	shalt  }
0x4d: {  	_ =	shalt  }
0x4e: {  	_ =	shalt  }
0x4f: {  	_ =	shalt  }
0x50: {  	_ =	shalt  }
0x51: {  	_ =	shalt  }
0x52: {  	_ =	shalt  }
0x53: {  	_ =	shalt  }
0x54: {  	_ =	shalt  }
0x55: {  	_ =	shalt  }
0x56: {  	_ =	shalt  }
0x57: {  	_ =	shalt  }
0x58: {  	_ =	shalt  }
0x59: {  	_ =	shalt  }
0x5a: {  	_ =	shalt  }
0x5b: {  	_ =	shalt  }
0x5c: {  	_ =	shalt  }
0x5d: {  	_ =	shalt  }
0x5e: {  	_ =	shalt  }
0x5f: {  	_ =	shalt  }
0x60: {  	_ =	shalt  }
0x61: {  	_ =	shalt  }
0x62: {  	_ =	shalt  }
0x63: {  	_ =	shalt  }
0x64: {  	_ =	shalt  }
0x65: {  	_ =	shalt  }
0x66: {  	_ =	shalt  }
0x67: {  	_ =	shalt  }
0x68: {  	_ =	shalt  }
0x69: {  	_ =	shalt  }
0x6a: {  	_ =	shalt  }
0x6b: {  	_ =	shalt  }
0x6c: {  	_ =	shalt  }
0x6d: {  	_ =	shalt  }
0x6e: {  	_ =	shalt  }
0x6f: {  	_ =	shalt  }
0x70: {  	_ =	shalt  }
0x71: {  	_ =	shalt  }
0x72: {  	_ =	shalt  }
0x73: {  	_ =	shalt  }
0x74: {  	_ =	shalt  }
0x75: {  	_ =	shalt  }
0x76: {  	_ =	shalt  }
0x77: {  	_ =	shalt  }
0x78: {  	_ =	shalt  }
0x79: {  	_ =	shalt  }
0x7a: {  	_ =	shalt  }
0x7b: {  	_ =	shalt  }
0x7c: {  	_ =	shalt  }
0x7d: {  	_ =	shalt  }
0x7e: {  	_ =	shalt  }
0x7f: {  	_ =	shalt  }
0x80: {  	_ =	shalt  }
0x81: {  	_ =	shalt  }
0x82: {  	_ =	shalt  }
0x83: {  	_ =	shalt  }
0x84: {  	_ =	shalt  }
0x85: {  	_ =	shalt  }
0x86: {  	_ =	shalt  }
0x87: {  	_ =	shalt  }
.Lfunc_end0:
.L_simem_size_0:
called_computation_lowered:
.L_overlay_start_0:
0x88: {  	s2 =	sld [smem:$0x3FD9]  }
0x89: {  	s3 =	sld [smem:$0x3FFE];
	_ =	sdelay $0x1  }
0x8a: {  	s1 =	srdreg.scid  }
0x8b: {  	s0 =	sand.u32 $0x1, s1  }
0x8c: {  	s16 =	sshll.u32 s0, $0xA;
	s2 =	sadd.s32 s3, s2  }
0x8d: {  	s2 =	sadd.s32 s2, s16  }
0x8e: {  	[smem:$0x3FBC] =	sst s2  }
0x8f: {  	_ = 	snop  }
0x90: {  	(tm) =	ssettm $0x1  }
0x91: {  	s17 =	sld [smem:$0x3FFB];
	_ =	sdelay $0x3  }
0x92: {  	_ =	strace s17  }
0x93: {  	s2 =	sld [smem:$0x3FFC];
	_ =	sdelay $0x3  }
0x94: {  	_ =	strace s2  }
0x95: {  	s2 =	sld [smem:$0x3FFD];
	_ =	sdelay $0x3  }
0x96: {  	_ =	strace s2  }
0x97: {  	_ =	strace $0x8FFFFFFF  }
0x98: {  	s18 =	sld [smem:$0x3FDB];
	_ =	sdelay $0x1  }
0x99: {  	s19 =	simm.s32 $_scs_section_size  }
0x9a: {  	s4 =	simm.s32 $_size__tile_overlayer_lowered;
	s5 =	simm.s32 $_tile_overlayer_lowered  }
0x9b: {  	s22 =	simm.s32 $0x1BFF;
	s21 =	sshll.u32 s5, $0x1;
	s2 =	sadd.s32 s19, s18  }
0x9c: {  	s6 =	simm.s32 $0x0;
	s20 =	sshll.u32 s4, $0x1;
	s4 =	sadd.s32 s21, s2  }
0x9d: {  	[timem:s6], [sflag:s22] =	dma.local [hbm:s4], s20  }
0x9e: {  	_ =	swait.ge [sflag:s22], s20  }
0x9f: {  	s3 =	ssub.s32 $0x0, s20;
	[sflag:s22] =	ssyncset.done $0x0  }
0xa0: {  	[sflag:s22] =	ssyncadd.s32 s3;
	_ =	sdelay $0x1  }
0xa1: {  	s23 =	simm.s32 $0x1B8B  }
0xa2: {  	_ =	swait.ge [sflag:s23], $0x1  }
0xa3: {  	[sflag:s23] =	ssyncset.done $0x0  }
0xa4: {  	s25 =	simm.s32 $0x1B8E;
	s24 =	sld [smem:$0x3FFE];
	[sflag:s23] =	ssyncadd.s32 $0xFFFFFFFF  }
0xa5: {  	s26 =	simm.s32 $execute0_lowered;
	[smem:$0x3FD2] =	sst s25  }
0xa6: {  	s4 =	sshll.u32 s26, $0x1;
	_ =	strace $0x80000046;
	[dreg:$0x1] =	wrdreg $0xFFFFFFFF  }
0xa7: {  	s28 =	simm.s32 $_size_execute0_lowered;
	s2 =	sadd.s32 s2, s4;
	[dreg:$0x0] =	wrdreg $0x0  }
0xa8: {  	s4 =	sshll.u32 s28, $0x1;
	[dreg:$0x2] =	wrdreg s2  }
0xa9: {  	[dreg:$0x3] =	wrdreg s4  }
0xaa: {  	[dreg:$0x4] =	wrdreg $0xC0  }
0xab: {  	_ =	task [dreg:s6], $0x5FFFF  }
0xac: {  	[dreg:$0x1] =	wrdreg $0xFFFFFFFF  }
0xad: {  	[dreg:$0x0] =	wrdreg $0x60  }
0xae: {  	[dreg:$0x2] =	wrdreg s24  }
0xaf: {  	[dreg:$0x3] =	wrdreg $0x9  }
0xb0: {  	_ =	task.clear_ibuf [dreg:s6], $0x4FFFF;
	_ =	strace $0x90000046  }
0xb1: {  	s29 =	simm.s32 $0x9;
	_ =	strace $0x80000048  }
0xb2: {  	_ =	swait.ge [sflag:s29], $0x1  }
0xb3: {  	[sflag:s29] =	ssyncadd.s32 $0xFFFFFFFF  }
0xb4: {  	_ =	strace $0x90000048  }
0xb5: {  	_ =	sfence  }
0xb6: {  	s30 =	sld [smem:$0x0];
	_ =	sdelay $0x2  }
0xb7: {  	s31 =	sshll.u32 s1, $0xD;
	s1 =	sshrl.u32 s1, $0x2  }
0xb8: {  	s3 =	sand.u32 $0x4000, s31;
	s1 =	sadd.s32 s1, s30  }
0xb9: {  	s0 =	sor.u32 s3, s0;
	s1 =	sshll.u32 s1, $0x11  }
0xba: {  	s0 =	sor.u32 s1, s0  }
0xbb: {  	s0 =	sadd.s32 $0x8F2B, s0  }
0xbc: {  	[sflag:s0] =	ssyncadd.remote.s32 $0x1  }
0xbd: {  	_ =	sfence.sel $0xFFFF  }
0xbe: {  	[dreg:$0x0] =	wrdreg $0xFFFFFFFF;
	(pc) =	sbr.abs _section_cstart, $3  }
0xbf: {  	[dreg:$0x1] =	wrdreg $0xFFFFFFFF  }
0xc0: {  	_ =	task.clear_ibuf [dreg:s6], $0x2FFFF;
	_ =	strace $0x9FFFFFFF  }
0xc1: {  	(tm) =	ssettm $0x7FFFFFFF  }
tec
execute0_lowered:
.L_overlay_start_1:
0x0: {  	(tag) =	ssettag $0x1  }
0x1: {  	s0 =	srdreg.scid;
	s5 =	rddreg [dreg:$0x0]  }
0x2: {  	s1 =	stileid.u32;
	s6 =	simm.s32 $0x1;
	s9 =	simm.s32 $0x1  }
0x3: {  	s10 =	simm.s32 $0x3;
	s13 =	simm.s32 $0x0;
	s2 =	sshll.u32 s0, $0xD  }
0x4: {  	s12 =	simm.s32 $0x0;
	s3 =	sshll.u32 s1, $0xE;
	s2 =	sand.u32 $0x2000, s2  }
0x5: {  	s0 =	rddreg [dreg:$0x1];
	_ =	strace $0x80000047;
	s2 =	sor.u32 s3, s2  }
0x6: {  	s4 =	sadd.s32 $0x2C00, s5;
	[sflag:s6] =	ssyncpa.u1 $0x0;
	s8 =	ssub.s32 $0x80000, s2  }
.Ltmp0:
0x7: {  	s3 =	sadd.s32 $0x12C00, s5;
	s7 =	sand.u32 $0x3E000, s8;
	(pc) =	sbr.rel .LBB2_1-.Ltmp0, $4  }
0x8: {  	s5 =	sadd.s32 $0x92B200, s5;
	s11 =	smov.u32 s2;
	p0 =	sne.s32 s7, $0x0  }
0x9: {  	s8 =	sshrl.u32 s8, $0x12;
	s7 =	simm.s32 $0x2;
	s9 =	simm.s32 @!p0 $0x0  }
0xa: {  	[sflag:s7] =	ssyncpa.u1 $0x0;
	p0 =	por $0x0, $0x0;
	s8 =	sadd.s32 s9, s8  }
0xb: {  	vm0 =	vmmov $0xffff;
	v0 =	vimm.s32 $0x0;
	[sflag:s10] =	ssyncpa.u1 $0x0;
	s10 =	simm.s32 $0x0;
	s9 =	sadd.s32 $0x1, s8  }
.LBB2_4:
0xc: {  	v4 =	vand.u32 $0x7F, v4;
	v5 =	vsel vm1, $0xFFFFFFFF, v5;
	v2 =	vand.u32 $0xFFFF, v2  }
0xd: {  	vm2 =	veq.s32 v3, $0x1;
	v6 =	vshrl.u32 v5, $0x2;
	v3 =	vmul.u32 $0x24000, v4  }
0xe: {  	v2 =	vsel vm1, $0xFFFFFFFF, v2;
	v61 =	vsel vm2, $0x1200000, v0;
	v6 =	vmul.u32 $0x24000, v6  }
0xf: {  	v7 =	vand.u32 $0x7F, v2;
	v3 =	vadd.s32 v61, v3  }
0x10: {  	v2 =	vshll.u32 v2, $0x2;
	v3 =	vsel vm1, $0xFEDDC000, v3;
	v62 =	vor.u32 v7, v6  }
0x11: {  	v5 =	vshll.u32 v5, $0x7;
	v2 =	vand.u32 $0xFFFFFE00, v2;
	v3 =	vadd.s32 v3, v62  }
0x12: {  	v63 =	vand.u32 $0x180, v5;
	v2 =	vadd.s32 v2, v3  }
0x13: {  	v2 =	vor.u32 v63, v2;
	_ =	sdelay $0x1  }
0x14: {  	(ifvalue) =	ssetifvalue $0x7FFFFFFF;
	s14 =	sadd.s32 $0x10, s14  }
0x15: {  	[tilespmem:s14], [sflag:$0x1] =	stream.indirect_vreg.gather [hbm4b:s3+s10], $0x1, v1, vm0, $0x4038;
	[tilespmem:$0x8000] =	vst v63  }
0x16: {  	(ifvalue) =	ssetifvalue $0x7FFFFFFF;
	s14 =	sadd.s32 $0x10, s14  }
0x17: {  	[tilespmem:s14], [sflag:$0x1] =	stream.indirect_vreg.gather [hbm4b:s3+s10], $0x1, v2, vm0, $0x4038;
	[tilespmem:$0x8000] =	vst v63  }
0x18: {  	_ =	swait.ge [sflag:s6], $0x2000  }
0x19: {  	s30 =	sshrl.u32 s13, $0x3;
	[sflag:s6] =	ssyncset.done $0x0  }
0x1a: {  	s31 =	sand.u32 $0x7, s13;
	s14 =	sadd.s32 s5, s30;
	[sflag:s6] =	ssyncadd.s32 $0xFFFFE000  }
0x1b: {  	[hbm4b:s14+s31] =	stream.linear.scatter [tilespmem:s15], [sflag:$0x3], $0x2000, $0x38;
	[tilespmem:$0x8000] =	vst v63  }
.LBB2_5:
0x1c: {  	s15 =	sadd.s32 $0x40000, s11  }
0x1d: {  	p2 =	sgt.s32 s15, $0x7FFFF  }
0x1e: {  	s15 =	smov.u32 @p2 s2;
	p2 =	sne.s32 s12, s9  }
.Ltmp1:
0x1f: {  	p1 =	slt.u32 s12, $0x2;
	(pc) =	sbr.rel @!p2 .LBB2_6-.Ltmp1, $4  }
0x20: {  	s14 =	simm.s32 @!p1 $0x3  }
0x21: {  	s16 =	sadd.s32 $0x1, s12;
	_ =	swait.ge @!p1 [sflag:s14], $0x2000  }
0x22: {  	s13 =	smov.u32 s11;
	p0 =	por !p0, !p0;
	[sflag:s14] =	ssyncset.done @!p1 $0x0  }
0x23: {  	s12 =	smov.u32 s16;
	s11 =	smov.u32 s15;
	[sflag:s14] =	ssyncadd.s32 @!p1 $0xFFFFE000  }
.LBB2_1:
0x24: {  	p1 =	sge.u32 s12, s8  }
0x25: {  	s14 =	sxor.u32 @!p1 $0xFFFFFFFF, s12  }
0x26: {  	s31 =	sadd.s32 $0xFFFFFFFF, s12;
	s15 =	sshrl.u32 @!p1 s11, $0x3;
	s14 =	sshll.u32 @!p1 s14, $0xD  }
0x27: {  	s16 =	sand.u32 @!p1 $0x7, s11;
	s15 =	sadd.s32 @!p1 s4, s15;
	s14 =	sand.u32 @!p1 $0x2000, s14  }
0x28: {  	[tilespmem:s14], [sflag:$0x2] =	stream.linear.gather @!p1 [hbm4b:s15+s16], $0x2000, $0x38;
	[tilespmem:$0x8000] =	vst v63  }
0x29: {  	p1 =	sge.u32 s31, s8  }
.Ltmp2:
0x2a: {  	_ = 	snop;
	(pc) =	sbr.rel @p1 .LBB2_5-.Ltmp2, $1  }
0x2b: {  	_ =	sdelay $0x3  }
0x2c: {  	s14 =	simm.s32 $0x1  }
0x2d: {  	_ =	swait.ge [sflag:s7], $0x2000;
	s14 =	simm.s32 @!p0 $0x0  }
0x2e: {  	[sflag:s7] =	ssyncset.done $0x0;
	s14 =	sshll.u32 s14, $0xD  }
0x2f: {  	[sflag:s7] =	ssyncadd.s32 $0xFFFFE000;
	(ifvalue) =	ssetifvalue $0x7FFFFFFF;
	v1 =	vld.msk [tilespmem:s14+$0x0 ss:$0x1], $0xffff;
	_ =	sdelay $0x4  }
0x30: {  	v2 =	vshrl.u32 v1, $0xA;
	v3 =	vshrl.u32 v1, $0x8  }
0x31: {  	v4 =	vand.u32 $0x1, v1;
	vm1 =	veq.s32 v1, $0x80000000;
	v1 =	vshrl.u32 v1, $0x1  }
0x32: {  	s15 =	sadd.s32 $0x10, s14;
	v3 =	vand.u32 $0x3, v3;
	v1 =	vand.u32 $0x7F, v1;
	v2 =	vand.u32 $0xFFFF, v2  }
0x33: {  	v5 =	vld.msk [tilespmem:s15+$0x0 ss:$0x1], $0xffff;
	vm2 =	veq.s32 v4, $0x1;
	v3 =	vsel vm1, $0xFFFFFFFF, v3;
	v1 =	vmul.u32 $0x24000, v1  }
0x34: {  	v2 =	vsel vm1, $0xFFFFFFFF, v2;
	v4 =	vsel vm2, $0x1200000, v0;
	v6 =	vshrl.u32 v3, $0x2  }
0x35: {  	v7 =	vand.u32 $0x7F, v2;
	v2 =	vshll.u32 v2, $0x2;
	v6 =	vmul.u32 $0x24000, v6  }
0x36: {  	v3 =	vshll.u32 v3, $0x7;
	v1 =	vadd.s32 v4, v1;
	v2 =	vand.u32 $0xFFFFFE00, v2  }
0x37: {  	v3 =	vand.u32 $0x180, v3;
	v1 =	vsel vm1, $0xFEDDC000, v1;
	v4 =	vor.u32 v7, v6  }
0x38: {  	vm1 =	veq.s32 v5, $0x80000000;
	v6 =	vand.u32 $0x1, v5;
	v1 =	vadd.s32 v1, v4  }
0x39: {  	v4 =	vshrl.u32 v5, $0xA;
	v1 =	vadd.s32 v2, v1;
	v2 =	vshrl.u32 v5, $0x8  }
0x3a: {  	v1 =	vor.u32 v3, v1;
	v3 =	vshrl.u32 v5, $0x1;
	v2 =	vand.u32 $0x3, v2  }
0x3b: {  	s17 =	sadd.s32 $0x10, s15;
	vm2 =	veq.s32 v6, $0x1;
	v3 =	vand.u32 $0x7F, v3;
	v2 =	vsel vm1, $0xFFFFFFFF, v2  }
0x3c: {  	v4 =	vand.u32 $0xFFFF, v4;
	v5 =	vld.msk [tilespmem:s17+$0x0 ss:$0x1], $0xffff;
	v7 =	vshrl.u32 v2, $0x2;
	v3 =	vmul.u32 $0x24000, v3  }
0x3d: {  	v6 =	vsel vm2, $0x1200000, v0;
	v4 =	vsel vm1, $0xFFFFFFFF, v4;
	v7 =	vmul.u32 $0x24000, v7  }
0x3e: {  	v8 =	vand.u32 $0x7F, v4;
	v3 =	vadd.s32 v6, v3  }
0x3f: {  	v4 =	vshll.u32 v4, $0x2;
	v3 =	vsel vm1, $0xFEDDC000, v3;
	v6 =	vor.u32 v8, v7  }
0x40: {  	s31 =	sshll.u32 s12, $0xD;
	s14 =	sor.u32 $0x4000, s14;
	(ifvalue) =	ssetifvalue $0x7FFFFFFF;
	v4 =	vand.u32 $0xFFFFFE00, v4;
	v7 =	vshll.u32 v2, $0x7;
	v3 =	vadd.s32 v3, v6  }
0x41: {  	[tilespmem:s14], [sflag:$0x1] =	stream.indirect_vreg.gather [hbm4b:s3+s10], $0x1, v1, vm0, $0x4038;
	v2 =	vshrl.u32 v5, $0xA;
	v1 =	vand.u32 $0x180, v7;
	v4 =	vadd.s32 v4, v3;
	[tilespmem:$0x8000] =	vst v63  }
0x42: {  	s15 =	sand.u32 $0x2000, s31;
	vm1 =	veq.s32 v5, $0x80000000;
	v6 =	vshrl.u32 v5, $0x8;
	v1 =	vor.u32 v1, v4  }
0x43: {  	s16 =	simm.s32 $0x20;
	s15 =	sor.u32 $0x4000, s15;
	s17 =	sadd.s32 $0x10, s17;
	v3 =	vand.u32 $0x1, v5;
	v4 =	vshrl.u32 v5, $0x1;
	v5 =	vand.u32 $0x3, v6  }
.LBB2_3:
0x44: {  	v6 =	vld.msk [tilespmem:s17+$0x0 ss:$0x1], $0xffff;
	v4 =	vand.u32 $0x7F, v4;
	v5 =	vsel vm1, $0xFFFFFFFF, v5;
	v2 =	vand.u32 $0xFFFF, v2  }
0x45: {  	s16 =	sadd.s32 $0x10, s16;
	vm2 =	veq.s32 v3, $0x1;
	v7 =	vshrl.u32 v5, $0x2;
	v3 =	vmul.u32 $0x24000, v4  }
0x46: {  	s14 =	sadd.s32 $0x10, s14;
	p1 =	slt.u32 s16, $0x1FF0;
	v2 =	vsel vm1, $0xFFFFFFFF, v2;
	v4 =	vsel vm2, $0x1200000, v0;
	v7 =	vmul.u32 $0x24000, v7;
	(ifvalue) =	ssetifvalue $0x7FFFFFFF  }
0x47: {  	v8 =	vand.u32 $0x7F, v2;
	v3 =	vadd.s32 v4, v3;
	[tilespmem:s14], [sflag:$0x1] =	stream.indirect_vreg.gather [hbm4b:s3+s10], $0x1, v1, vm0, $0x4038;
	[tilespmem:$0x8000] =	vst v63  }
.Ltmp3:
0x48: {  	v2 =	vshll.u32 v2, $0x2;
	v1 =	vsel vm1, $0xFEDDC000, v3;
	v3 =	vor.u32 v8, v7;
	(pc) =	sbr.rel @p1 .LBB2_3-.Ltmp3, $4  }
0x49: {  	v5 =	vshll.u32 v5, $0x7;
	v4 =	vand.u32 $0xFFFFFE00, v2;
	v1 =	vadd.s32 v1, v3  }
0x4a: {  	v5 =	vand.u32 $0x180, v5;
	v2 =	vshrl.u32 v6, $0xA;
	v1 =	vadd.s32 v4, v1  }
0x4b: {  	v7 =	vshrl.u32 v6, $0x8;
	v3 =	vand.u32 $0x1, v6;
	v1 =	vor.u32 v5, v1  }
0x4c: {  	s17 =	sadd.s32 $0x10, s17;
	vm1 =	veq.s32 v6, $0x80000000;
	v4 =	vshrl.u32 v6, $0x1;
	v5 =	vand.u32 $0x3, v7  }
.Ltmp4:
0x4d: {  	_ = 	snop;
	(pc) =	sbr.rel .LBB2_4-.Ltmp4, $1  }
0x4e: {  	_ =	sdelay $0x3  }
.LBB2_6:
0x4f: {  	_ =	sfence.sel $0x180000  }
0x50: {  	s2 =	simm.s32 $0x2;
	[bflag:$0x0] =	sbarrier.arrive $0xFFFF  }
0x51: {  	s30 =	simm.s32 $0x3;
	[sflag:s2] =	ssyncpa.u1 $0x1  }
0x52: {  	s31 =	simm.s32 $0x1;
	[sflag:s30] =	ssyncpa.u1 $0x1  }
0x53: {  	[sflag:s31] =	ssyncpa.u1 $0x1  }
0x54: {  	p0 =	sne.s32 s1, $0x0;
	_ =	strace $0x90000047  }
0x55: {  	s0 =	sadd.s32 @!p0 $0x100000, s0;
	[bflag:$0x2] =	sbarrier.arrive $0xFFFF  }
0x56: {  	[sflag:s0] =	ssyncadd.tile.s32 @!p0 $0x1;
	_ =	shalt  }
.Lfunc_end2:
_tile_overlayer_lowered:
.L_overlay_start_2:
0x57: {  	(tag) =	ssettag $0x2  }
0x58: {  	s0 =	rddreg [dreg:$0x0];
	s2 =	stileid.u32  }
0x59: {  	s1 =	rddreg [dreg:$0x1];
	p0 =	sne.s32 s2, $0x0  }
0x5a: {  	s3 =	rddreg [dreg:$0x2];
	[bflag:$0x3] =	sbarrier.arrive $0xFFFF;
	s2 =	simm.s32 @!p0 $0x1C01  }
0x5b: {  	[timem:s3], [sflag:s2] =	dma.local @!p0 [hbm:s0], s1  }
0x5c: {  	s0 =	simm.s32 @!p0 $0x1  }
0x5d: {  	_ =	swait.ge @!p0 [sflag:s0], s1  }
0x5e: {  	s1 =	ssub.s32 @!p0 $0x0, s1;
	[sflag:s0] =	ssyncset.done @!p0 $0x0  }
0x5f: {  	[sflag:s0] =	ssyncadd.s32 @!p0 s1  }
0x60: {  	[bflag:$0x3] =	sbarrier.arrive $0xFFFF  }
0x61: {  	_ =	shalt  }

</sc_bundles>
